<compile_context>
chip_gen: v7x
topology: tpu7x:2x2x1
jax: 0.10.2.dev20260603
libtpu: 0.0.44.dev20260713+nightly
codegen_flags: <defaults>
</compile_context>

<pallas_src>
import functools

import jax
import jax.numpy as jnp
from jax import lax
from jax.experimental import pallas as pl
from jax.experimental.pallas import tpu as pltpu
from jax.experimental.pallas import tpu_sc as plsc

_ANCHOR_T = 4.0
_LANES = 16


@functools.lru_cache(maxsize=None)
def _build_sc_kernel(num_layers, num_anchors, num_targets, num_workers):
    rows_per_w = num_targets // num_workers
    groups = rows_per_w // _LANES
    ncols = 7
    n_blocks = num_layers * num_anchors

    mesh = plsc.VectorSubcoreMesh(core_axis_name="c", subcore_axis_name="s")

    @functools.partial(
        pl.kernel,
        mesh=mesh,
        out_type=jax.ShapeDtypeStruct(
            (num_layers, num_anchors, ncols, num_targets), jnp.float32),
        scratch_types=[
            pltpu.VMEM((6, rows_per_w), jnp.float32),
            pltpu.VMEM((128,), jnp.float32),
            pltpu.VMEM((n_blocks, ncols, rows_per_w), jnp.float32),
            pltpu.SemaphoreType.DMA,
        ],
        compiler_params=pltpu.CompilerParams(
            use_tc_tiling_on_sc=True,
            needs_layout_passes=False,
        ),
    )
    def sc_kernel(t_hbm, meta_hbm, out_hbm, t_v, meta_v, out_v, sem):
        wid = lax.axis_index("c") * (num_workers // 2) + lax.axis_index("s")
        base = wid * rows_per_w

        pltpu.sync_copy(meta_hbm, meta_v)
        pltpu.sync_copy(t_hbm.at[:, pl.ds(base, rows_per_w)], t_v)

        @pl.loop(0, n_blocks)
        def _block(j):
            midx = jnp.full((_LANES,), j * 4, jnp.int32)
            stride = plsc.load_gather(meta_v, [midx])
            law = plsc.load_gather(meta_v, [midx + 1]) / stride
            lah = plsc.load_gather(meta_v, [midx + 2]) / stride
            af = plsc.load_gather(meta_v, [midx + 3])

            @pl.loop(0, groups)
            def _group(g):
                sl = pl.ds(g * _LANES, _LANES)
                s2 = t_v[2, sl] / stride
                s3 = t_v[3, sl] / stride
                s4 = t_v[4, sl] / stride
                s5 = t_v[5, sl] / stride
                rw = s4 / law
                rh = s5 / lah
                worst = jnp.maximum(jnp.maximum(rw, 1.0 / rw),
                                    jnp.maximum(rh, 1.0 / rh))
                keep = worst < _ANCHOR_T
                vals = (t_v[0, sl], t_v[1, sl], s2, s3, s4, s5, af)
                for c in range(ncols):
                    out_v[j, c, sl] = jnp.where(keep, vals[c], 0.0)

        copies = []
        for j in range(n_blocks):
            i, a = j // num_anchors, j % num_anchors
            copies.append(pltpu.async_copy(
                out_v.at[j],
                out_hbm.at[i, a, :, pl.ds(base, rows_per_w)], sem))
        for d in copies:
            d.wait()

    return sc_kernel


def kernel(preds, targets, anchors, strides):
    del preds
    num_targets = targets.shape[0]
    num_layers, num_anchors = anchors.shape[0], anchors.shape[1]
    num_workers = 32
    t_t = targets[:, :6].T
    n_blocks = num_layers * num_anchors
    st_b = jnp.repeat(strides, num_anchors)[:, None]
    anc_b = anchors.reshape(n_blocks, 2)
    aidx = jnp.tile(jnp.arange(num_anchors, dtype=jnp.float32),
                    (num_layers,))[:, None]
    meta = jnp.concatenate([st_b, anc_b, aidx], axis=1).reshape(-1)
    meta = jnp.concatenate(
        [meta, jnp.zeros((128 - meta.shape[0],), jnp.float32)])
    sc = _build_sc_kernel(num_layers, num_anchors, num_targets, num_workers)
    out_t = sc(t_t, meta)
    matched = jnp.transpose(out_t, (0, 1, 3, 2))
    losses = jnp.zeros((3,), jnp.float32)
    return (matched, losses)

# --- scband reference (transcript-rebuilt; emitter-appended) ---
"""Pipeline reference for scband-yolov3-loss-31997506355736 (READ-ONLY COPY).

The authoritative reference and input builder live on the scoring server;
editing this copy changes nothing except your own understanding.
"""

import jax, jax.numpy as jnp
import numpy as np

NUM_ANCHORS = 3
ANCHOR_T = 4.0


def setup_inputs(seed: int = 0) -> dict:
    key = jax.random.key(seed)
    k1, k2, k3 = jax.random.split(key, 3)
    preds = jax.random.normal(k1, (16, 3, 26, 26, 85), dtype=jnp.float32)
    num_objs = 8192
    img_size = 416.0
    batch = 16
    ks = jax.random.split(k3, 4)
    sample_idx = jax.random.randint(k2, (num_objs,), 0, batch).astype(jnp.float32)
    obj_id = jax.random.randint(ks[0], (num_objs,), 0, 80).astype(jnp.float32)
    cxcy = jax.random.uniform(ks[1], (num_objs, 2), minval=0.0, maxval=img_size, dtype=jnp.float32)
    wh = jax.random.uniform(ks[2], (num_objs, 2), minval=4.0, maxval=img_size / 2.0, dtype=jnp.float32)
    targets = jnp.concatenate([sample_idx[:, None], obj_id[:, None], cxcy, wh], axis=1)
    # canonical YOLOv3 anchors in pixels, one row per yolo layer (stride 8, 16, 32)
    anchors = jnp.array([
        [[10.0, 13.0], [16.0, 30.0], [33.0, 23.0]],
        [[30.0, 61.0], [62.0, 45.0], [59.0, 119.0]],
        [[116.0, 90.0], [156.0, 198.0], [373.0, 326.0]],
    ], dtype=jnp.float32)
    strides = jnp.array([8.0, 16.0, 32.0], dtype=jnp.float32)
    return {"preds": preds, "targets": targets, "anchors": anchors, "strides": strides}


def reference(preds, targets, anchors, strides):
    # Faithful translation of Yolov3Loss.forward -> _build_targets.
    # targets: (num_objs, 6) = (sample_index, obj_id, cx, cy, w, h)
    num_targets = targets.shape[0]
    # anchor_index: (A, N), appended as a 7th column
    anchor_index = jnp.tile(jnp.arange(NUM_ANCHORS, dtype=jnp.float32)[:, None], (1, num_targets))
    t = jnp.concatenate([jnp.tile(targets[None, :, :], (NUM_ANCHORS, 1, 1)), anchor_index[:, :, None]], axis=2)  # (A, N, 7)
    per_layer = []
    num_layers = anchors.shape[0]
    for i in range(num_layers):
        layer_anchors = anchors[i] / strides[i]  # (A, 2), anchors in grid units
        gain = jnp.ones((7,), dtype=jnp.float32)
        gain = gain.at[2:6].set(strides[i])
        scaled = t / gain  # (A, N, 7)
        ratio = scaled[:, :, 4:6] / layer_anchors[:, None, :]  # (A, N, 2)
        keep = jnp.max(jnp.maximum(ratio, 1.0 / ratio), axis=2) < ANCHOR_T  # (A, N) bool
        # dense, jit-friendly equivalent of boolean-mask indexing scaled_targets[ratio_thresh]
        per_layer.append(jnp.where(keep[:, :, None], scaled, 0.0))
    matched = jnp.stack(per_layer, axis=0)  # (num_layers, A, N, 7)
    lbox = jnp.zeros((1,), dtype=jnp.float32)
    lobj = jnp.zeros((1,), dtype=jnp.float32)
    lcls = jnp.zeros((1,), dtype=jnp.float32)
    return (matched, jnp.concatenate([lbox, lobj, lcls]))

if __name__ == "__main__":
    import jax
    _d = setup_inputs()
    print(jax.jit(kernel)(*tuple(_d.values())))

</pallas_src>

<mosaic_0001>
#map = affine_map<(d0, d1) -> (0, 0)>
#map1 = affine_map<(d0, d1) -> (0)>
#map2 = affine_map<(d0, d1) -> (0, 0, 0, 0)>
module attributes {stable_mosaic.version = 14 : i64} {
  func.func @sc_kernel(%arg0: i32, %arg1: i32, %arg2: memref<6x8192xf32, #tpu.memory_space<hbm>>, %arg3: memref<128xf32, #tpu.memory_space<hbm>>, %arg4: memref<3x3x7x8192xf32, #tpu.memory_space<hbm>>, %arg5: memref<6x256xf32, #tpu.memory_space<vmem>>, %arg6: memref<128xf32, #tpu.memory_space<vmem>>, %arg7: memref<9x7x256xf32, #tpu.memory_space<vmem>>, %arg8: memref<!tpu.dma_semaphore, #tpu.memory_space<semaphore_mem>>) attributes {dimension_semantics = [#tpu.dimension_semantics<core_parallel>, #tpu.dimension_semantics<subcore_parallel>], iteration_bounds = array<i64: 2, 16>, scalar_prefetch = 0 : i64, scratch_operands = 4 : i64, tpu.core_type = #tpu.core_type<sc_vector_subcore>, window_params = [{transform_indices = #map}, {transform_indices = #map1}, {transform_indices = #map2}]} {
    %mul3A = arith.constant 16 : i32
    %mul3A_0 = arith.muli %arg0, %mul3A : i32
    %add3A = arith.addi %mul3A_0, %arg1 : i32
    %mul3A_1 = arith.constant 256 : i32
    %mul3A_2 = arith.muli %add3A, %mul3A_1 : i32
    "tpu.region"() ({
      %run_scoped3A = tpu.sem_alloc : memref<!tpu.dma_semaphore, #tpu.memory_space<semaphore_mem>>
      tpu.enqueue_dma source(%arg3 : memref<128xf32, #tpu.memory_space<hbm>>) target(%arg6 : memref<128xf32, #tpu.memory_space<vmem>>) target_semaphore(%run_scoped3A : memref<!tpu.dma_semaphore, #tpu.memory_space<semaphore_mem>>)
      tpu.wait_dma2 semaphore(%run_scoped3A : memref<!tpu.dma_semaphore, #tpu.memory_space<semaphore_mem>>) src(%arg3 : memref<128xf32, #tpu.memory_space<hbm>>) dst(%arg6 : memref<128xf32, #tpu.memory_space<vmem>>)
      tpu.yield
    }) : () -> ()
    "tpu.region"() ({
      %run_scoped3A = tpu.sem_alloc : memref<!tpu.dma_semaphore, #tpu.memory_space<semaphore_mem>>
      %dma_start3A_311 = arith.constant 0 : i32
      %dma_start3A_312 = tpu.memref_slice %arg2[%dma_start3A_311, %mul3A_2] : memref<6x8192xf32, #tpu.memory_space<hbm>> -> memref<6x256xf32, #tpu.memory_space<hbm>>
      %dma_start3A_313 = arith.constant 0 : i32
      %dma_start3A_314 = tpu.memref_slice %arg2[%dma_start3A_313, %mul3A_2] : memref<6x8192xf32, #tpu.memory_space<hbm>> -> memref<6x256xf32, #tpu.memory_space<hbm>>
      tpu.enqueue_dma source(%dma_start3A_314 : memref<6x256xf32, #tpu.memory_space<hbm>>) target(%arg5 : memref<6x256xf32, #tpu.memory_space<vmem>>) target_semaphore(%run_scoped3A : memref<!tpu.dma_semaphore, #tpu.memory_space<semaphore_mem>>)
      %dma_wait3A_315 = arith.constant 0 : i32
      %dma_wait3A_316 = tpu.memref_slice %arg2[%dma_wait3A_315, %mul3A_2] : memref<6x8192xf32, #tpu.memory_space<hbm>> -> memref<6x256xf32, #tpu.memory_space<hbm>>
      %dma_wait3A_317 = arith.constant 0 : i32
      %dma_wait3A_318 = tpu.memref_slice %arg2[%dma_wait3A_317, %mul3A_2] : memref<6x8192xf32, #tpu.memory_space<hbm>> -> memref<6x256xf32, #tpu.memory_space<hbm>>
      tpu.wait_dma2 semaphore(%run_scoped3A : memref<!tpu.dma_semaphore, #tpu.memory_space<semaphore_mem>>) src(%dma_wait3A_318 : memref<6x256xf32, #tpu.memory_space<hbm>>) dst(%arg5 : memref<6x256xf32, #tpu.memory_space<vmem>>)
      tpu.yield
    }) : () -> ()
    %scan3A = arith.constant 0 : i32
    %scan3A_3 = arith.constant 9 : i32
    %scan3A_4 = arith.addi %scan3A, %scan3A_3 : i32
    %scan3A_5 = arith.constant 1 : i32
    scf.for %scan3A_311 = %scan3A to %scan3A_4 step %scan3A_5  : i32 {
      %mul3A_312 = arith.constant 1 : i32
      %mul3A_313 = arith.muli %scan3A_311, %mul3A_312 : i32
      %add3A_314 = arith.constant 0 : i32
      %add3A_315 = arith.addi %add3A_314, %mul3A_313 : i32
      %mul3A_316 = arith.constant 4 : i32
      %mul3A_317 = arith.muli %add3A_315, %mul3A_316 : i32
      %broadcast_in_dim3A = vector.broadcast %mul3A_317 : i32 to vector<16xi32>
      %gather3A = tpu.vector_load_idx %arg6[%broadcast_in_dim3A] : memref<128xf32, #tpu.memory_space<vmem>>[vector<16xi32>], vector<16xf32>,
      %add3A_318 = arith.constant 1 : i32
      %add3A_319 = vector.broadcast %add3A_318 : i32 to vector<16xi32>
      %add3A_320 = arith.addi %broadcast_in_dim3A, %add3A_319 : vector<16xi32>
      %gather3A_321 = tpu.vector_load_idx %arg6[%add3A_320] : memref<128xf32, #tpu.memory_space<vmem>>[vector<16xi32>], vector<16xf32>,
      %div3A = arith.divf %gather3A_321, %gather3A : vector<16xf32>
      %add3A_322 = arith.constant 2 : i32
      %add3A_323 = vector.broadcast %add3A_322 : i32 to vector<16xi32>
      %add3A_324 = arith.addi %broadcast_in_dim3A, %add3A_323 : vector<16xi32>
      %gather3A_325 = tpu.vector_load_idx %arg6[%add3A_324] : memref<128xf32, #tpu.memory_space<vmem>>[vector<16xi32>], vector<16xf32>,
      %div3A_326 = arith.divf %gather3A_325, %gather3A : vector<16xf32>
      %add3A_327 = arith.constant 3 : i32
      %add3A_328 = vector.broadcast %add3A_327 : i32 to vector<16xi32>
      %add3A_329 = arith.addi %broadcast_in_dim3A, %add3A_328 : vector<16xi32>
      %gather3A_330 = tpu.vector_load_idx %arg6[%add3A_329] : memref<128xf32, #tpu.memory_space<vmem>>[vector<16xi32>], vector<16xf32>,
      %scan3A_331 = arith.constant 0 : i32
      %scan3A_332 = arith.constant 16 : i32
      %scan3A_333 = arith.addi %scan3A_331, %scan3A_332 : i32
      %scan3A_334 = arith.constant 1 : i32
      scf.for %scan3A_336 = %scan3A_331 to %scan3A_333 step %scan3A_334  : i32 {
        %mul3A_337 = arith.constant 1 : i32
        %mul3A_338 = arith.muli %scan3A_336, %mul3A_337 : i32
        %add3A_339 = arith.constant 0 : i32
        %add3A_340 = arith.addi %add3A_339, %mul3A_338 : i32
        %mul3A_341 = arith.constant 16 : i32
        %mul3A_342 = arith.muli %add3A_340, %mul3A_341 : i32
        %get3A = arith.constant 2 : i32
        %get3A_343 = arith.index_cast %get3A : i32 to index
        %get3A_344 = arith.index_cast %mul3A_342 : i32 to index
        %get3A_345 = tpu.vector_load %arg5[%get3A_343, %get3A_344] {strides = array<i32>} : memref<6x256xf32, #tpu.memory_space<vmem>>, vector<16xf32>,
        %div3A_346 = arith.divf %get3A_345, %gather3A : vector<16xf32>
        %get3A_347 = arith.constant 3 : i32
        %get3A_348 = arith.index_cast %get3A_347 : i32 to index
        %get3A_349 = arith.index_cast %mul3A_342 : i32 to index
        %get3A_350 = tpu.vector_load %arg5[%get3A_348, %get3A_349] {strides = array<i32>} : memref<6x256xf32, #tpu.memory_space<vmem>>, vector<16xf32>,
        %div3A_351 = arith.divf %get3A_350, %gather3A : vector<16xf32>
        %get3A_352 = arith.constant 4 : i32
        %get3A_353 = arith.index_cast %get3A_352 : i32 to index
        %get3A_354 = arith.index_cast %mul3A_342 : i32 to index
        %get3A_355 = tpu.vector_load %arg5[%get3A_353, %get3A_354] {strides = array<i32>} : memref<6x256xf32, #tpu.memory_space<vmem>>, vector<16xf32>,
        %div3A_356 = arith.divf %get3A_355, %gather3A : vector<16xf32>
        %get3A_357 = arith.constant 5 : i32
        %get3A_358 = arith.index_cast %get3A_357 : i32 to index
        %get3A_359 = arith.index_cast %mul3A_342 : i32 to index
        %get3A_360 = tpu.vector_load %arg5[%get3A_358, %get3A_359] {strides = array<i32>} : memref<6x256xf32, #tpu.memory_space<vmem>>, vector<16xf32>,
        %div3A_361 = arith.divf %get3A_360, %gather3A : vector<16xf32>
        %div3A_362 = arith.divf %div3A_356, %div3A : vector<16xf32>
        %div3A_363 = arith.divf %div3A_361, %div3A_326 : vector<16xf32>
        %div3A_364 = arith.constant 1.000000e+00 : f32
        %div3A_365 = vector.broadcast %div3A_364 : f32 to vector<16xf32>
        %div3A_366 = arith.divf %div3A_365, %div3A_362 : vector<16xf32>
        %max3A = arith.maximumf %div3A_362, %div3A_366 : vector<16xf32>
        %div3A_367 = arith.constant 1.000000e+00 : f32
        %div3A_368 = vector.broadcast %div3A_367 : f32 to vector<16xf32>
        %div3A_369 = arith.divf %div3A_368, %div3A_363 : vector<16xf32>
        %max3A_370 = arith.maximumf %div3A_363, %div3A_369 : vector<16xf32>
        %max3A_371 = arith.maximumf %max3A, %max3A_370 : vector<16xf32>
        %lt3A = arith.constant 4.000000e+00 : f32
        %lt3A_372 = vector.broadcast %lt3A : f32 to vector<16xf32>
        %lt3A_373 = arith.cmpf olt, %max3A_371, %lt3A_372 : vector<16xf32>
        %get3A_374 = arith.constant 0 : i32
        %get3A_375 = arith.index_cast %get3A_374 : i32 to index
        %get3A_376 = arith.index_cast %mul3A_342 : i32 to index
        %get3A_377 = tpu.vector_load %arg5[%get3A_375, %get3A_376] {strides = array<i32>} : memref<6x256xf32, #tpu.memory_space<vmem>>, vector<16xf32>,
        %get3A_378 = arith.constant 1 : i32
        %get3A_379 = arith.index_cast %get3A_378 : i32 to index
        %get3A_380 = arith.index_cast %mul3A_342 : i32 to index
        %get3A_381 = tpu.vector_load %arg5[%get3A_379, %get3A_380] {strides = array<i32>} : memref<6x256xf32, #tpu.memory_space<vmem>>, vector<16xf32>,
        %jit3A = arith.constant 0.000000e+00 : f32
        %broadcast_in_dim3A_382 = vector.broadcast %jit3A : f32 to vector<16xf32>
        %select_n3A = arith.select %lt3A_373, %get3A_377, %broadcast_in_dim3A_382 : vector<16xi1>, vector<16xf32>
        %swap3A = arith.constant 0 : i32
        %swap3A_383 = arith.index_cast %add3A_315 : i32 to index
        %swap3A_384 = arith.index_cast %swap3A : i32 to index
        %swap3A_385 = arith.index_cast %mul3A_342 : i32 to index
        %swap3A_386 = tpu.vector_load %arg7[%swap3A_383, %swap3A_384, %swap3A_385] {strides = array<i32>} : memref<9x7x256xf32, #tpu.memory_space<vmem>>, vector<16xf32>,
        tpu.vector_store %arg7[%swap3A_383, %swap3A_384, %swap3A_385], %select_n3A {strides = array<i32>} : memref<9x7x256xf32, #tpu.memory_space<vmem>>, vector<16xf32>,
        %jit3A_387 = arith.constant 0.000000e+00 : f32
        %broadcast_in_dim3A_388 = vector.broadcast %jit3A_387 : f32 to vector<16xf32>
        %select_n3A_389 = arith.select %lt3A_373, %get3A_381, %broadcast_in_dim3A_388 : vector<16xi1>, vector<16xf32>
        %swap3A_390 = arith.constant 1 : i32
        %swap3A_391 = arith.index_cast %add3A_315 : i32 to index
        %swap3A_392 = arith.index_cast %swap3A_390 : i32 to index
        %swap3A_393 = arith.index_cast %mul3A_342 : i32 to index
        %swap3A_394 = tpu.vector_load %arg7[%swap3A_391, %swap3A_392, %swap3A_393] {strides = array<i32>} : memref<9x7x256xf32, #tpu.memory_space<vmem>>, vector<16xf32>,
        tpu.vector_store %arg7[%swap3A_391, %swap3A_392, %swap3A_393], %select_n3A_389 {strides = array<i32>} : memref<9x7x256xf32, #tpu.memory_space<vmem>>, vector<16xf32>,
        %jit3A_395 = arith.constant 0.000000e+00 : f32
        %broadcast_in_dim3A_396 = vector.broadcast %jit3A_395 : f32 to vector<16xf32>
        %select_n3A_397 = arith.select %lt3A_373, %div3A_346, %broadcast_in_dim3A_396 : vector<16xi1>, vector<16xf32>
        %swap3A_398 = arith.constant 2 : i32
        %swap3A_399 = arith.index_cast %add3A_315 : i32 to index
        %swap3A_400 = arith.index_cast %swap3A_398 : i32 to index
        %swap3A_401 = arith.index_cast %mul3A_342 : i32 to index
        %swap3A_402 = tpu.vector_load %arg7[%swap3A_399, %swap3A_400, %swap3A_401] {strides = array<i32>} : memref<9x7x256xf32, #tpu.memory_space<vmem>>, vector<16xf32>,
        tpu.vector_store %arg7[%swap3A_399, %swap3A_400, %swap3A_401], %select_n3A_397 {strides = array<i32>} : memref<9x7x256xf32, #tpu.memory_space<vmem>>, vector<16xf32>,
        %jit3A_403 = arith.constant 0.000000e+00 : f32
        %broadcast_in_dim3A_404 = vector.broadcast %jit3A_403 : f32 to vector<16xf32>
        %select_n3A_405 = arith.select %lt3A_373, %div3A_351, %broadcast_in_dim3A_404 : vector<16xi1>, vector<16xf32>
        %swap3A_406 = arith.constant 3 : i32
        %swap3A_407 = arith.index_cast %add3A_315 : i32 to index
        %swap3A_408 = arith.index_cast %swap3A_406 : i32 to index
        %swap3A_409 = arith.index_cast %mul3A_342 : i32 to index
        %swap3A_410 = tpu.vector_load %arg7[%swap3A_407, %swap3A_408, %swap3A_409] {strides = array<i32>} : memref<9x7x256xf32, #tpu.memory_space<vmem>>, vector<16xf32>,
        tpu.vector_store %arg7[%swap3A_407, %swap3A_408, %swap3A_409], %select_n3A_405 {strides = array<i32>} : memref<9x7x256xf32, #tpu.memory_space<vmem>>, vector<16xf32>,
        %jit3A_411 = arith.constant 0.000000e+00 : f32
        %broadcast_in_dim3A_412 = vector.broadcast %jit3A_411 : f32 to vector<16xf32>
        %select_n3A_413 = arith.select %lt3A_373, %div3A_356, %broadcast_in_dim3A_412 : vector<16xi1>, vector<16xf32>
        %swap3A_414 = arith.constant 4 : i32
        %swap3A_415 = arith.index_cast %add3A_315 : i32 to index
        %swap3A_416 = arith.index_cast %swap3A_414 : i32 to index
        %swap3A_417 = arith.index_cast %mul3A_342 : i32 to index
        %swap3A_418 = tpu.vector_load %arg7[%swap3A_415, %swap3A_416, %swap3A_417] {strides = array<i32>} : memref<9x7x256xf32, #tpu.memory_space<vmem>>, vector<16xf32>,
        tpu.vector_store %arg7[%swap3A_415, %swap3A_416, %swap3A_417], %select_n3A_413 {strides = array<i32>} : memref<9x7x256xf32, #tpu.memory_space<vmem>>, vector<16xf32>,
        %jit3A_419 = arith.constant 0.000000e+00 : f32
        %broadcast_in_dim3A_420 = vector.broadcast %jit3A_419 : f32 to vector<16xf32>
        %select_n3A_421 = arith.select %lt3A_373, %div3A_361, %broadcast_in_dim3A_420 : vector<16xi1>, vector<16xf32>
        %swap3A_422 = arith.constant 5 : i32
        %swap3A_423 = arith.index_cast %add3A_315 : i32 to index
        %swap3A_424 = arith.index_cast %swap3A_422 : i32 to index
        %swap3A_425 = arith.index_cast %mul3A_342 : i32 to index
        %swap3A_426 = tpu.vector_load %arg7[%swap3A_423, %swap3A_424, %swap3A_425] {strides = array<i32>} : memref<9x7x256xf32, #tpu.memory_space<vmem>>, vector<16xf32>,
        tpu.vector_store %arg7[%swap3A_423, %swap3A_424, %swap3A_425], %select_n3A_421 {strides = array<i32>} : memref<9x7x256xf32, #tpu.memory_space<vmem>>, vector<16xf32>,
        %jit3A_427 = arith.constant 0.000000e+00 : f32
        %broadcast_in_dim3A_428 = vector.broadcast %jit3A_427 : f32 to vector<16xf32>
        %select_n3A_429 = arith.select %lt3A_373, %gather3A_330, %broadcast_in_dim3A_428 : vector<16xi1>, vector<16xf32>
        %swap3A_430 = arith.constant 6 : i32
        %swap3A_431 = arith.index_cast %add3A_315 : i32 to index
        %swap3A_432 = arith.index_cast %swap3A_430 : i32 to index
        %swap3A_433 = arith.index_cast %mul3A_342 : i32 to index
        %swap3A_434 = tpu.vector_load %arg7[%swap3A_431, %swap3A_432, %swap3A_433] {strides = array<i32>} : memref<9x7x256xf32, #tpu.memory_space<vmem>>, vector<16xf32>,
        tpu.vector_store %arg7[%swap3A_431, %swap3A_432, %swap3A_433], %select_n3A_429 {strides = array<i32>} : memref<9x7x256xf32, #tpu.memory_space<vmem>>, vector<16xf32>,
      }
      %scan3A_335 = arith.constant 16 : i32
    }
    %scan3A_6 = arith.constant 9 : i32
    %dma_start3A = arith.constant 0 : i32
    %dma_start3A_7 = arith.constant 0 : i32
    %dma_start3A_8 = arith.constant 0 : i32
    %dma_start3A_9 = arith.constant 0 : i32
    %dma_start3A_10 = arith.constant 0 : i32
    %dma_start3A_11 = tpu.memref_slice %arg7[%dma_start3A, %dma_start3A_9, %dma_start3A_10] : memref<9x7x256xf32, #tpu.memory_space<vmem>> -> memref<1x7x256xf32, #tpu.memory_space<vmem>>
    %dma_start3A_12 = tpu.memref_squeeze %dma_start3A_11 : memref<1x7x256xf32, #tpu.memory_space<vmem>> -> memref<7x256xf32, #tpu.memory_space<vmem>>
    %dma_start3A_13 = arith.constant 0 : i32
    %dma_start3A_14 = tpu.memref_slice %arg4[%dma_start3A_7, %dma_start3A_8, %dma_start3A_13, %mul3A_2] : memref<3x3x7x8192xf32, #tpu.memory_space<hbm>> -> memref<1x1x7x256xf32, #tpu.memory_space<hbm>>
    %dma_start3A_15 = tpu.memref_squeeze %dma_start3A_14 : memref<1x1x7x256xf32, #tpu.memory_space<hbm>> -> memref<7x256xf32, #tpu.memory_space<hbm>>
    %dma_start3A_16 = arith.constant 0 : i32
    %dma_start3A_17 = tpu.memref_slice %arg4[%dma_start3A_7, %dma_start3A_8, %dma_start3A_16, %mul3A_2] : memref<3x3x7x8192xf32, #tpu.memory_space<hbm>> -> memref<1x1x7x256xf32, #tpu.memory_space<hbm>>
    %dma_start3A_18 = tpu.memref_squeeze %dma_start3A_17 : memref<1x1x7x256xf32, #tpu.memory_space<hbm>> -> memref<7x256xf32, #tpu.memory_space<hbm>>
    %dma_start3A_19 = arith.constant 0 : i32
    %dma_start3A_20 = arith.constant 0 : i32
    %dma_start3A_21 = tpu.memref_slice %arg7[%dma_start3A, %dma_start3A_19, %dma_start3A_20] : memref<9x7x256xf32, #tpu.memory_space<vmem>> -> memref<1x7x256xf32, #tpu.memory_space<vmem>>
    %dma_start3A_22 = tpu.memref_squeeze %dma_start3A_21 : memref<1x7x256xf32, #tpu.memory_space<vmem>> -> memref<7x256xf32, #tpu.memory_space<vmem>>
    tpu.enqueue_dma source(%dma_start3A_22 : memref<7x256xf32, #tpu.memory_space<vmem>>) target(%dma_start3A_18 : memref<7x256xf32, #tpu.memory_space<hbm>>) target_semaphore(%arg8 : memref<!tpu.dma_semaphore, #tpu.memory_space<semaphore_mem>>)
    %dma_start3A_23 = arith.constant 1 : i32
    %dma_start3A_24 = arith.constant 0 : i32
    %dma_start3A_25 = arith.constant 1 : i32
    %dma_start3A_26 = arith.constant 0 : i32
    %dma_start3A_27 = arith.constant 0 : i32
    %dma_start3A_28 = tpu.memref_slice %arg7[%dma_start3A_23, %dma_start3A_26, %dma_start3A_27] : memref<9x7x256xf32, #tpu.memory_space<vmem>> -> memref<1x7x256xf32, #tpu.memory_space<vmem>>
    %dma_start3A_29 = tpu.memref_squeeze %dma_start3A_28 : memref<1x7x256xf32, #tpu.memory_space<vmem>> -> memref<7x256xf32, #tpu.memory_space<vmem>>
    %dma_start3A_30 = arith.constant 0 : i32
    %dma_start3A_31 = tpu.memref_slice %arg4[%dma_start3A_24, %dma_start3A_25, %dma_start3A_30, %mul3A_2] : memref<3x3x7x8192xf32, #tpu.memory_space<hbm>> -> memref<1x1x7x256xf32, #tpu.memory_space<hbm>>
    %dma_start3A_32 = tpu.memref_squeeze %dma_start3A_31 : memref<1x1x7x256xf32, #tpu.memory_space<hbm>> -> memref<7x256xf32, #tpu.memory_space<hbm>>
    %dma_start3A_33 = arith.constant 0 : i32
    %dma_start3A_34 = tpu.memref_slice %arg4[%dma_start3A_24, %dma_start3A_25, %dma_start3A_33, %mul3A_2] : memref<3x3x7x8192xf32, #tpu.memory_space<hbm>> -> memref<1x1x7x256xf32, #tpu.memory_space<hbm>>
    %dma_start3A_35 = tpu.memref_squeeze %dma_start3A_34 : memref<1x1x7x256xf32, #tpu.memory_space<hbm>> -> memref<7x256xf32, #tpu.memory_space<hbm>>
    %dma_start3A_36 = arith.constant 0 : i32
    %dma_start3A_37 = arith.constant 0 : i32
    %dma_start3A_38 = tpu.memref_slice %arg7[%dma_start3A_23, %dma_start3A_36, %dma_start3A_37] : memref<9x7x256xf32, #tpu.memory_space<vmem>> -> memref<1x7x256xf32, #tpu.memory_space<vmem>>
    %dma_start3A_39 = tpu.memref_squeeze %dma_start3A_38 : memref<1x7x256xf32, #tpu.memory_space<vmem>> -> memref<7x256xf32, #tpu.memory_space<vmem>>
    tpu.enqueue_dma source(%dma_start3A_39 : memref<7x256xf32, #tpu.memory_space<vmem>>) target(%dma_start3A_35 : memref<7x256xf32, #tpu.memory_space<hbm>>) target_semaphore(%arg8 : memref<!tpu.dma_semaphore, #tpu.memory_space<semaphore_mem>>)
    %dma_start3A_40 = arith.constant 2 : i32
    %dma_start3A_41 = arith.constant 0 : i32
    %dma_start3A_42 = arith.constant 2 : i32
    %dma_start3A_43 = arith.constant 0 : i32
    %dma_start3A_44 = arith.constant 0 : i32
    %dma_start3A_45 = tpu.memref_slice %arg7[%dma_start3A_40, %dma_start3A_43, %dma_start3A_44] : memref<9x7x256xf32, #tpu.memory_space<vmem>> -> memref<1x7x256xf32, #tpu.memory_space<vmem>>
    %dma_start3A_46 = tpu.memref_squeeze %dma_start3A_45 : memref<1x7x256xf32, #tpu.memory_space<vmem>> -> memref<7x256xf32, #tpu.memory_space<vmem>>
    %dma_start3A_47 = arith.constant 0 : i32
    %dma_start3A_48 = tpu.memref_slice %arg4[%dma_start3A_41, %dma_start3A_42, %dma_start3A_47, %mul3A_2] : memref<3x3x7x8192xf32, #tpu.memory_space<hbm>> -> memref<1x1x7x256xf32, #tpu.memory_space<hbm>>
    %dma_start3A_49 = tpu.memref_squeeze %dma_start3A_48 : memref<1x1x7x256xf32, #tpu.memory_space<hbm>> -> memref<7x256xf32, #tpu.memory_space<hbm>>
    %dma_start3A_50 = arith.constant 0 : i32
    %dma_start3A_51 = tpu.memref_slice %arg4[%dma_start3A_41, %dma_start3A_42, %dma_start3A_50, %mul3A_2] : memref<3x3x7x8192xf32, #tpu.memory_space<hbm>> -> memref<1x1x7x256xf32, #tpu.memory_space<hbm>>
    %dma_start3A_52 = tpu.memref_squeeze %dma_start3A_51 : memref<1x1x7x256xf32, #tpu.memory_space<hbm>> -> memref<7x256xf32, #tpu.memory_space<hbm>>
    %dma_start3A_53 = arith.constant 0 : i32
    %dma_start3A_54 = arith.constant 0 : i32
    %dma_start3A_55 = tpu.memref_slice %arg7[%dma_start3A_40, %dma_start3A_53, %dma_start3A_54] : memref<9x7x256xf32, #tpu.memory_space<vmem>> -> memref<1x7x256xf32, #tpu.memory_space<vmem>>
    %dma_start3A_56 = tpu.memref_squeeze %dma_start3A_55 : memref<1x7x256xf32, #tpu.memory_space<vmem>> -> memref<7x256xf32, #tpu.memory_space<vmem>>
    tpu.enqueue_dma source(%dma_start3A_56 : memref<7x256xf32, #tpu.memory_space<vmem>>) target(%dma_start3A_52 : memref<7x256xf32, #tpu.memory_space<hbm>>) target_semaphore(%arg8 : memref<!tpu.dma_semaphore, #tpu.memory_space<semaphore_mem>>)
    %dma_start3A_57 = arith.constant 3 : i32
    %dma_start3A_58 = arith.constant 1 : i32
    %dma_start3A_59 = arith.constant 0 : i32
    %dma_start3A_60 = arith.constant 0 : i32
    %dma_start3A_61 = arith.constant 0 : i32
    %dma_start3A_62 = tpu.memref_slice %arg7[%dma_start3A_57, %dma_start3A_60, %dma_start3A_61] : memref<9x7x256xf32, #tpu.memory_space<vmem>> -> memref<1x7x256xf32, #tpu.memory_space<vmem>>
    %dma_start3A_63 = tpu.memref_squeeze %dma_start3A_62 : memref<1x7x256xf32, #tpu.memory_space<vmem>> -> memref<7x256xf32, #tpu.memory_space<vmem>>
    %dma_start3A_64 = arith.constant 0 : i32
    %dma_start3A_65 = tpu.memref_slice %arg4[%dma_start3A_58, %dma_start3A_59, %dma_start3A_64, %mul3A_2] : memref<3x3x7x8192xf32, #tpu.memory_space<hbm>> -> memref<1x1x7x256xf32, #tpu.memory_space<hbm>>
    %dma_start3A_66 = tpu.memref_squeeze %dma_start3A_65 : memref<1x1x7x256xf32, #tpu.memory_space<hbm>> -> memref<7x256xf32, #tpu.memory_space<hbm>>
    %dma_start3A_67 = arith.constant 0 : i32
    %dma_start3A_68 = tpu.memref_slice %arg4[%dma_start3A_58, %dma_start3A_59, %dma_start3A_67, %mul3A_2] : memref<3x3x7x8192xf32, #tpu.memory_space<hbm>> -> memref<1x1x7x256xf32, #tpu.memory_space<hbm>>
    %dma_start3A_69 = tpu.memref_squeeze %dma_start3A_68 : memref<1x1x7x256xf32, #tpu.memory_space<hbm>> -> memref<7x256xf32, #tpu.memory_space<hbm>>
    %dma_start3A_70 = arith.constant 0 : i32
    %dma_start3A_71 = arith.constant 0 : i32
    %dma_start3A_72 = tpu.memref_slice %arg7[%dma_start3A_57, %dma_start3A_70, %dma_start3A_71] : memref<9x7x256xf32, #tpu.memory_space<vmem>> -> memref<1x7x256xf32, #tpu.memory_space<vmem>>
    %dma_start3A_73 = tpu.memref_squeeze %dma_start3A_72 : memref<1x7x256xf32, #tpu.memory_space<vmem>> -> memref<7x256xf32, #tpu.memory_space<vmem>>
    tpu.enqueue_dma source(%dma_start3A_73 : memref<7x256xf32, #tpu.memory_space<vmem>>) target(%dma_start3A_69 : memref<7x256xf32, #tpu.memory_space<hbm>>) target_semaphore(%arg8 : memref<!tpu.dma_semaphore, #tpu.memory_space<semaphore_mem>>)
    %dma_start3A_74 = arith.constant 4 : i32
    %dma_start3A_75 = arith.constant 1 : i32
    %dma_start3A_76 = arith.constant 1 : i32
    %dma_start3A_77 = arith.constant 0 : i32
    %dma_start3A_78 = arith.constant 0 : i32
    %dma_start3A_79 = tpu.memref_slice %arg7[%dma_start3A_74, %dma_start3A_77, %dma_start3A_78] : memref<9x7x256xf32, #tpu.memory_space<vmem>> -> memref<1x7x256xf32, #tpu.memory_space<vmem>>
    %dma_start3A_80 = tpu.memref_squeeze %dma_start3A_79 : memref<1x7x256xf32, #tpu.memory_space<vmem>> -> memref<7x256xf32, #tpu.memory_space<vmem>>
    %dma_start3A_81 = arith.constant 0 : i32
    %dma_start3A_82 = tpu.memref_slice %arg4[%dma_start3A_75, %dma_start3A_76, %dma_start3A_81, %mul3A_2] : memref<3x3x7x8192xf32, #tpu.memory_space<hbm>> -> memref<1x1x7x256xf32, #tpu.memory_space<hbm>>
    %dma_start3A_83 = tpu.memref_squeeze %dma_start3A_82 : memref<1x1x7x256xf32, #tpu.memory_space<hbm>> -> memref<7x256xf32, #tpu.memory_space<hbm>>
    %dma_start3A_84 = arith.constant 0 : i32
    %dma_start3A_85 = tpu.memref_slice %arg4[%dma_start3A_75, %dma_start3A_76, %dma_start3A_84, %mul3A_2] : memref<3x3x7x8192xf32, #tpu.memory_space<hbm>> -> memref<1x1x7x256xf32, #tpu.memory_space<hbm>>
    %dma_start3A_86 = tpu.memref_squeeze %dma_start3A_85 : memref<1x1x7x256xf32, #tpu.memory_space<hbm>> -> memref<7x256xf32, #tpu.memory_space<hbm>>
    %dma_start3A_87 = arith.constant 0 : i32
    %dma_start3A_88 = arith.constant 0 : i32
    %dma_start3A_89 = tpu.memref_slice %arg7[%dma_start3A_74, %dma_start3A_87, %dma_start3A_88] : memref<9x7x256xf32, #tpu.memory_space<vmem>> -> memref<1x7x256xf32, #tpu.memory_space<vmem>>
    %dma_start3A_90 = tpu.memref_squeeze %dma_start3A_89 : memref<1x7x256xf32, #tpu.memory_space<vmem>> -> memref<7x256xf32, #tpu.memory_space<vmem>>
    tpu.enqueue_dma source(%dma_start3A_90 : memref<7x256xf32, #tpu.memory_space<vmem>>) target(%dma_start3A_86 : memref<7x256xf32, #tpu.memory_space<hbm>>) target_semaphore(%arg8 : memref<!tpu.dma_semaphore, #tpu.memory_space<semaphore_mem>>)
    %dma_start3A_91 = arith.constant 5 : i32
    %dma_start3A_92 = arith.constant 1 : i32
    %dma_start3A_93 = arith.constant 2 : i32
    %dma_start3A_94 = arith.constant 0 : i32
    %dma_start3A_95 = arith.constant 0 : i32
    %dma_start3A_96 = tpu.memref_slice %arg7[%dma_start3A_91, %dma_start3A_94, %dma_start3A_95] : memref<9x7x256xf32, #tpu.memory_space<vmem>> -> memref<1x7x256xf32, #tpu.memory_space<vmem>>
    %dma_start3A_97 = tpu.memref_squeeze %dma_start3A_96 : memref<1x7x256xf32, #tpu.memory_space<vmem>> -> memref<7x256xf32, #tpu.memory_space<vmem>>
    %dma_start3A_98 = arith.constant 0 : i32
    %dma_start3A_99 = tpu.memref_slice %arg4[%dma_start3A_92, %dma_start3A_93, %dma_start3A_98, %mul3A_2] : memref<3x3x7x8192xf32, #tpu.memory_space<hbm>> -> memref<1x1x7x256xf32, #tpu.memory_space<hbm>>
    %dma_start3A_100 = tpu.memref_squeeze %dma_start3A_99 : memref<1x1x7x256xf32, #tpu.memory_space<hbm>> -> memref<7x256xf32, #tpu.memory_space<hbm>>
    %dma_start3A_101 = arith.constant 0 : i32
    %dma_start3A_102 = tpu.memref_slice %arg4[%dma_start3A_92, %dma_start3A_93, %dma_start3A_101, %mul3A_2] : memref<3x3x7x8192xf32, #tpu.memory_space<hbm>> -> memref<1x1x7x256xf32, #tpu.memory_space<hbm>>
    %dma_start3A_103 = tpu.memref_squeeze %dma_start3A_102 : memref<1x1x7x256xf32, #tpu.memory_space<hbm>> -> memref<7x256xf32, #tpu.memory_space<hbm>>
    %dma_start3A_104 = arith.constant 0 : i32
    %dma_start3A_105 = arith.constant 0 : i32
    %dma_start3A_106 = tpu.memref_slice %arg7[%dma_start3A_91, %dma_start3A_104, %dma_start3A_105] : memref<9x7x256xf32, #tpu.memory_space<vmem>> -> memref<1x7x256xf32, #tpu.memory_space<vmem>>
    %dma_start3A_107 = tpu.memref_squeeze %dma_start3A_106 : memref<1x7x256xf32, #tpu.memory_space<vmem>> -> memref<7x256xf32, #tpu.memory_space<vmem>>
    tpu.enqueue_dma source(%dma_start3A_107 : memref<7x256xf32, #tpu.memory_space<vmem>>) target(%dma_start3A_103 : memref<7x256xf32, #tpu.memory_space<hbm>>) target_semaphore(%arg8 : memref<!tpu.dma_semaphore, #tpu.memory_space<semaphore_mem>>)
    %dma_start3A_108 = arith.constant 6 : i32
    %dma_start3A_109 = arith.constant 2 : i32
    %dma_start3A_110 = arith.constant 0 : i32
    %dma_start3A_111 = arith.constant 0 : i32
    %dma_start3A_112 = arith.constant 0 : i32
    %dma_start3A_113 = tpu.memref_slice %arg7[%dma_start3A_108, %dma_start3A_111, %dma_start3A_112] : memref<9x7x256xf32, #tpu.memory_space<vmem>> -> memref<1x7x256xf32, #tpu.memory_space<vmem>>
    %dma_start3A_114 = tpu.memref_squeeze %dma_start3A_113 : memref<1x7x256xf32, #tpu.memory_space<vmem>> -> memref<7x256xf32, #tpu.memory_space<vmem>>
    %dma_start3A_115 = arith.constant 0 : i32
    %dma_start3A_116 = tpu.memref_slice %arg4[%dma_start3A_109, %dma_start3A_110, %dma_start3A_115, %mul3A_2] : memref<3x3x7x8192xf32, #tpu.memory_space<hbm>> -> memref<1x1x7x256xf32, #tpu.memory_space<hbm>>
    %dma_start3A_117 = tpu.memref_squeeze %dma_start3A_116 : memref<1x1x7x256xf32, #tpu.memory_space<hbm>> -> memref<7x256xf32, #tpu.memory_space<hbm>>
    %dma_start3A_118 = arith.constant 0 : i32
    %dma_start3A_119 = tpu.memref_slice %arg4[%dma_start3A_109, %dma_start3A_110, %dma_start3A_118, %mul3A_2] : memref<3x3x7x8192xf32, #tpu.memory_space<hbm>> -> memref<1x1x7x256xf32, #tpu.memory_space<hbm>>
    %dma_start3A_120 = tpu.memref_squeeze %dma_start3A_119 : memref<1x1x7x256xf32, #tpu.memory_space<hbm>> -> memref<7x256xf32, #tpu.memory_space<hbm>>
    %dma_start3A_121 = arith.constant 0 : i32
    %dma_start3A_122 = arith.constant 0 : i32
    %dma_start3A_123 = tpu.memref_slice %arg7[%dma_start3A_108, %dma_start3A_121, %dma_start3A_122] : memref<9x7x256xf32, #tpu.memory_space<vmem>> -> memref<1x7x256xf32, #tpu.memory_space<vmem>>
    %dma_start3A_124 = tpu.memref_squeeze %dma_start3A_123 : memref<1x7x256xf32, #tpu.memory_space<vmem>> -> memref<7x256xf32, #tpu.memory_space<vmem>>
    tpu.enqueue_dma source(%dma_start3A_124 : memref<7x256xf32, #tpu.memory_space<vmem>>) target(%dma_start3A_120 : memref<7x256xf32, #tpu.memory_space<hbm>>) target_semaphore(%arg8 : memref<!tpu.dma_semaphore, #tpu.memory_space<semaphore_mem>>)
    %dma_start3A_125 = arith.constant 7 : i32
    %dma_start3A_126 = arith.constant 2 : i32
    %dma_start3A_127 = arith.constant 1 : i32
    %dma_start3A_128 = arith.constant 0 : i32
    %dma_start3A_129 = arith.constant 0 : i32
    %dma_start3A_130 = tpu.memref_slice %arg7[%dma_start3A_125, %dma_start3A_128, %dma_start3A_129] : memref<9x7x256xf32, #tpu.memory_space<vmem>> -> memref<1x7x256xf32, #tpu.memory_space<vmem>>
    %dma_start3A_131 = tpu.memref_squeeze %dma_start3A_130 : memref<1x7x256xf32, #tpu.memory_space<vmem>> -> memref<7x256xf32, #tpu.memory_space<vmem>>
    %dma_start3A_132 = arith.constant 0 : i32
    %dma_start3A_133 = tpu.memref_slice %arg4[%dma_start3A_126, %dma_start3A_127, %dma_start3A_132, %mul3A_2] : memref<3x3x7x8192xf32, #tpu.memory_space<hbm>> -> memref<1x1x7x256xf32, #tpu.memory_space<hbm>>
    %dma_start3A_134 = tpu.memref_squeeze %dma_start3A_133 : memref<1x1x7x256xf32, #tpu.memory_space<hbm>> -> memref<7x256xf32, #tpu.memory_space<hbm>>
    %dma_start3A_135 = arith.constant 0 : i32
    %dma_start3A_136 = tpu.memref_slice %arg4[%dma_start3A_126, %dma_start3A_127, %dma_start3A_135, %mul3A_2] : memref<3x3x7x8192xf32, #tpu.memory_space<hbm>> -> memref<1x1x7x256xf32, #tpu.memory_space<hbm>>
    %dma_start3A_137 = tpu.memref_squeeze %dma_start3A_136 : memref<1x1x7x256xf32, #tpu.memory_space<hbm>> -> memref<7x256xf32, #tpu.memory_space<hbm>>
    %dma_start3A_138 = arith.constant 0 : i32
    %dma_start3A_139 = arith.constant 0 : i32
    %dma_start3A_140 = tpu.memref_slice %arg7[%dma_start3A_125, %dma_start3A_138, %dma_start3A_139] : memref<9x7x256xf32, #tpu.memory_space<vmem>> -> memref<1x7x256xf32, #tpu.memory_space<vmem>>
    %dma_start3A_141 = tpu.memref_squeeze %dma_start3A_140 : memref<1x7x256xf32, #tpu.memory_space<vmem>> -> memref<7x256xf32, #tpu.memory_space<vmem>>
    tpu.enqueue_dma source(%dma_start3A_141 : memref<7x256xf32, #tpu.memory_space<vmem>>) target(%dma_start3A_137 : memref<7x256xf32, #tpu.memory_space<hbm>>) target_semaphore(%arg8 : memref<!tpu.dma_semaphore, #tpu.memory_space<semaphore_mem>>)
    %dma_start3A_142 = arith.constant 8 : i32
    %dma_start3A_143 = arith.constant 2 : i32
    %dma_start3A_144 = arith.constant 2 : i32
    %dma_start3A_145 = arith.constant 0 : i32
    %dma_start3A_146 = arith.constant 0 : i32
    %dma_start3A_147 = tpu.memref_slice %arg7[%dma_start3A_142, %dma_start3A_145, %dma_start3A_146] : memref<9x7x256xf32, #tpu.memory_space<vmem>> -> memref<1x7x256xf32, #tpu.memory_space<vmem>>
    %dma_start3A_148 = tpu.memref_squeeze %dma_start3A_147 : memref<1x7x256xf32, #tpu.memory_space<vmem>> -> memref<7x256xf32, #tpu.memory_space<vmem>>
    %dma_start3A_149 = arith.constant 0 : i32
    %dma_start3A_150 = tpu.memref_slice %arg4[%dma_start3A_143, %dma_start3A_144, %dma_start3A_149, %mul3A_2] : memref<3x3x7x8192xf32, #tpu.memory_space<hbm>> -> memref<1x1x7x256xf32, #tpu.memory_space<hbm>>
    %dma_start3A_151 = tpu.memref_squeeze %dma_start3A_150 : memref<1x1x7x256xf32, #tpu.memory_space<hbm>> -> memref<7x256xf32, #tpu.memory_space<hbm>>
    %dma_start3A_152 = arith.constant 0 : i32
    %dma_start3A_153 = tpu.memref_slice %arg4[%dma_start3A_143, %dma_start3A_144, %dma_start3A_152, %mul3A_2] : memref<3x3x7x8192xf32, #tpu.memory_space<hbm>> -> memref<1x1x7x256xf32, #tpu.memory_space<hbm>>
    %dma_start3A_154 = tpu.memref_squeeze %dma_start3A_153 : memref<1x1x7x256xf32, #tpu.memory_space<hbm>> -> memref<7x256xf32, #tpu.memory_space<hbm>>
    %dma_start3A_155 = arith.constant 0 : i32
    %dma_start3A_156 = arith.constant 0 : i32
    %dma_start3A_157 = tpu.memref_slice %arg7[%dma_start3A_142, %dma_start3A_155, %dma_start3A_156] : memref<9x7x256xf32, #tpu.memory_space<vmem>> -> memref<1x7x256xf32, #tpu.memory_space<vmem>>
    %dma_start3A_158 = tpu.memref_squeeze %dma_start3A_157 : memref<1x7x256xf32, #tpu.memory_space<vmem>> -> memref<7x256xf32, #tpu.memory_space<vmem>>
    tpu.enqueue_dma source(%dma_start3A_158 : memref<7x256xf32, #tpu.memory_space<vmem>>) target(%dma_start3A_154 : memref<7x256xf32, #tpu.memory_space<hbm>>) target_semaphore(%arg8 : memref<!tpu.dma_semaphore, #tpu.memory_space<semaphore_mem>>)
    %dma_wait3A = arith.constant 0 : i32
    %dma_wait3A_159 = arith.constant 0 : i32
    %dma_wait3A_160 = arith.constant 0 : i32
    %dma_wait3A_161 = arith.constant 0 : i32
    %dma_wait3A_162 = arith.constant 0 : i32
    %dma_wait3A_163 = tpu.memref_slice %arg7[%dma_wait3A, %dma_wait3A_161, %dma_wait3A_162] : memref<9x7x256xf32, #tpu.memory_space<vmem>> -> memref<1x7x256xf32, #tpu.memory_space<vmem>>
    %dma_wait3A_164 = tpu.memref_squeeze %dma_wait3A_163 : memref<1x7x256xf32, #tpu.memory_space<vmem>> -> memref<7x256xf32, #tpu.memory_space<vmem>>
    %dma_wait3A_165 = arith.constant 0 : i32
    %dma_wait3A_166 = tpu.memref_slice %arg4[%dma_wait3A_159, %dma_wait3A_160, %dma_wait3A_165, %mul3A_2] : memref<3x3x7x8192xf32, #tpu.memory_space<hbm>> -> memref<1x1x7x256xf32, #tpu.memory_space<hbm>>
    %dma_wait3A_167 = tpu.memref_squeeze %dma_wait3A_166 : memref<1x1x7x256xf32, #tpu.memory_space<hbm>> -> memref<7x256xf32, #tpu.memory_space<hbm>>
    %dma_wait3A_168 = arith.constant 0 : i32
    %dma_wait3A_169 = tpu.memref_slice %arg4[%dma_wait3A_159, %dma_wait3A_160, %dma_wait3A_168, %mul3A_2] : memref<3x3x7x8192xf32, #tpu.memory_space<hbm>> -> memref<1x1x7x256xf32, #tpu.memory_space<hbm>>
    %dma_wait3A_170 = tpu.memref_squeeze %dma_wait3A_169 : memref<1x1x7x256xf32, #tpu.memory_space<hbm>> -> memref<7x256xf32, #tpu.memory_space<hbm>>
    %dma_wait3A_171 = arith.constant 0 : i32
    %dma_wait3A_172 = arith.constant 0 : i32
    %dma_wait3A_173 = tpu.memref_slice %arg7[%dma_wait3A, %dma_wait3A_171, %dma_wait3A_172] : memref<9x7x256xf32, #tpu.memory_space<vmem>> -> memref<1x7x256xf32, #tpu.memory_space<vmem>>
    %dma_wait3A_174 = tpu.memref_squeeze %dma_wait3A_173 : memref<1x7x256xf32, #tpu.memory_space<vmem>> -> memref<7x256xf32, #tpu.memory_space<vmem>>
    tpu.wait_dma2 semaphore(%arg8 : memref<!tpu.dma_semaphore, #tpu.memory_space<semaphore_mem>>) src(%dma_wait3A_174 : memref<7x256xf32, #tpu.memory_space<vmem>>) dst(%dma_wait3A_170 : memref<7x256xf32, #tpu.memory_space<hbm>>)
    %dma_wait3A_175 = arith.constant 1 : i32
    %dma_wait3A_176 = arith.constant 0 : i32
    %dma_wait3A_177 = arith.constant 1 : i32
    %dma_wait3A_178 = arith.constant 0 : i32
    %dma_wait3A_179 = arith.constant 0 : i32
    %dma_wait3A_180 = tpu.memref_slice %arg7[%dma_wait3A_175, %dma_wait3A_178, %dma_wait3A_179] : memref<9x7x256xf32, #tpu.memory_space<vmem>> -> memref<1x7x256xf32, #tpu.memory_space<vmem>>
    %dma_wait3A_181 = tpu.memref_squeeze %dma_wait3A_180 : memref<1x7x256xf32, #tpu.memory_space<vmem>> -> memref<7x256xf32, #tpu.memory_space<vmem>>
    %dma_wait3A_182 = arith.constant 0 : i32
    %dma_wait3A_183 = tpu.memref_slice %arg4[%dma_wait3A_176, %dma_wait3A_177, %dma_wait3A_182, %mul3A_2] : memref<3x3x7x8192xf32, #tpu.memory_space<hbm>> -> memref<1x1x7x256xf32, #tpu.memory_space<hbm>>
    %dma_wait3A_184 = tpu.memref_squeeze %dma_wait3A_183 : memref<1x1x7x256xf32, #tpu.memory_space<hbm>> -> memref<7x256xf32, #tpu.memory_space<hbm>>
    %dma_wait3A_185 = arith.constant 0 : i32
    %dma_wait3A_186 = tpu.memref_slice %arg4[%dma_wait3A_176, %dma_wait3A_177, %dma_wait3A_185, %mul3A_2] : memref<3x3x7x8192xf32, #tpu.memory_space<hbm>> -> memref<1x1x7x256xf32, #tpu.memory_space<hbm>>
    %dma_wait3A_187 = tpu.memref_squeeze %dma_wait3A_186 : memref<1x1x7x256xf32, #tpu.memory_space<hbm>> -> memref<7x256xf32, #tpu.memory_space<hbm>>
    %dma_wait3A_188 = arith.constant 0 : i32
    %dma_wait3A_189 = arith.constant 0 : i32
    %dma_wait3A_190 = tpu.memref_slice %arg7[%dma_wait3A_175, %dma_wait3A_188, %dma_wait3A_189] : memref<9x7x256xf32, #tpu.memory_space<vmem>> -> memref<1x7x256xf32, #tpu.memory_space<vmem>>
    %dma_wait3A_191 = tpu.memref_squeeze %dma_wait3A_190 : memref<1x7x256xf32, #tpu.memory_space<vmem>> -> memref<7x256xf32, #tpu.memory_space<vmem>>
    tpu.wait_dma2 semaphore(%arg8 : memref<!tpu.dma_semaphore, #tpu.memory_space<semaphore_mem>>) src(%dma_wait3A_191 : memref<7x256xf32, #tpu.memory_space<vmem>>) dst(%dma_wait3A_187 : memref<7x256xf32, #tpu.memory_space<hbm>>)
    %dma_wait3A_192 = arith.constant 2 : i32
    %dma_wait3A_193 = arith.constant 0 : i32
    %dma_wait3A_194 = arith.constant 2 : i32
    %dma_wait3A_195 = arith.constant 0 : i32
    %dma_wait3A_196 = arith.constant 0 : i32
    %dma_wait3A_197 = tpu.memref_slice %arg7[%dma_wait3A_192, %dma_wait3A_195, %dma_wait3A_196] : memref<9x7x256xf32, #tpu.memory_space<vmem>> -> memref<1x7x256xf32, #tpu.memory_space<vmem>>
    %dma_wait3A_198 = tpu.memref_squeeze %dma_wait3A_197 : memref<1x7x256xf32, #tpu.memory_space<vmem>> -> memref<7x256xf32, #tpu.memory_space<vmem>>
    %dma_wait3A_199 = arith.constant 0 : i32
    %dma_wait3A_200 = tpu.memref_slice %arg4[%dma_wait3A_193, %dma_wait3A_194, %dma_wait3A_199, %mul3A_2] : memref<3x3x7x8192xf32, #tpu.memory_space<hbm>> -> memref<1x1x7x256xf32, #tpu.memory_space<hbm>>
    %dma_wait3A_201 = tpu.memref_squeeze %dma_wait3A_200 : memref<1x1x7x256xf32, #tpu.memory_space<hbm>> -> memref<7x256xf32, #tpu.memory_space<hbm>>
    %dma_wait3A_202 = arith.constant 0 : i32
    %dma_wait3A_203 = tpu.memref_slice %arg4[%dma_wait3A_193, %dma_wait3A_194, %dma_wait3A_202, %mul3A_2] : memref<3x3x7x8192xf32, #tpu.memory_space<hbm>> -> memref<1x1x7x256xf32, #tpu.memory_space<hbm>>
    %dma_wait3A_204 = tpu.memref_squeeze %dma_wait3A_203 : memref<1x1x7x256xf32, #tpu.memory_space<hbm>> -> memref<7x256xf32, #tpu.memory_space<hbm>>
    %dma_wait3A_205 = arith.constant 0 : i32
    %dma_wait3A_206 = arith.constant 0 : i32
    %dma_wait3A_207 = tpu.memref_slice %arg7[%dma_wait3A_192, %dma_wait3A_205, %dma_wait3A_206] : memref<9x7x256xf32, #tpu.memory_space<vmem>> -> memref<1x7x256xf32, #tpu.memory_space<vmem>>
    %dma_wait3A_208 = tpu.memref_squeeze %dma_wait3A_207 : memref<1x7x256xf32, #tpu.memory_space<vmem>> -> memref<7x256xf32, #tpu.memory_space<vmem>>
    tpu.wait_dma2 semaphore(%arg8 : memref<!tpu.dma_semaphore, #tpu.memory_space<semaphore_mem>>) src(%dma_wait3A_208 : memref<7x256xf32, #tpu.memory_space<vmem>>) dst(%dma_wait3A_204 : memref<7x256xf32, #tpu.memory_space<hbm>>)
    %dma_wait3A_209 = arith.constant 3 : i32
    %dma_wait3A_210 = arith.constant 1 : i32
    %dma_wait3A_211 = arith.constant 0 : i32
    %dma_wait3A_212 = arith.constant 0 : i32
    %dma_wait3A_213 = arith.constant 0 : i32
    %dma_wait3A_214 = tpu.memref_slice %arg7[%dma_wait3A_209, %dma_wait3A_212, %dma_wait3A_213] : memref<9x7x256xf32, #tpu.memory_space<vmem>> -> memref<1x7x256xf32, #tpu.memory_space<vmem>>
    %dma_wait3A_215 = tpu.memref_squeeze %dma_wait3A_214 : memref<1x7x256xf32, #tpu.memory_space<vmem>> -> memref<7x256xf32, #tpu.memory_space<vmem>>
    %dma_wait3A_216 = arith.constant 0 : i32
    %dma_wait3A_217 = tpu.memref_slice %arg4[%dma_wait3A_210, %dma_wait3A_211, %dma_wait3A_216, %mul3A_2] : memref<3x3x7x8192xf32, #tpu.memory_space<hbm>> -> memref<1x1x7x256xf32, #tpu.memory_space<hbm>>
    %dma_wait3A_218 = tpu.memref_squeeze %dma_wait3A_217 : memref<1x1x7x256xf32, #tpu.memory_space<hbm>> -> memref<7x256xf32, #tpu.memory_space<hbm>>
    %dma_wait3A_219 = arith.constant 0 : i32
    %dma_wait3A_220 = tpu.memref_slice %arg4[%dma_wait3A_210, %dma_wait3A_211, %dma_wait3A_219, %mul3A_2] : memref<3x3x7x8192xf32, #tpu.memory_space<hbm>> -> memref<1x1x7x256xf32, #tpu.memory_space<hbm>>
    %dma_wait3A_221 = tpu.memref_squeeze %dma_wait3A_220 : memref<1x1x7x256xf32, #tpu.memory_space<hbm>> -> memref<7x256xf32, #tpu.memory_space<hbm>>
    %dma_wait3A_222 = arith.constant 0 : i32
    %dma_wait3A_223 = arith.constant 0 : i32
    %dma_wait3A_224 = tpu.memref_slice %arg7[%dma_wait3A_209, %dma_wait3A_222, %dma_wait3A_223] : memref<9x7x256xf32, #tpu.memory_space<vmem>> -> memref<1x7x256xf32, #tpu.memory_space<vmem>>
    %dma_wait3A_225 = tpu.memref_squeeze %dma_wait3A_224 : memref<1x7x256xf32, #tpu.memory_space<vmem>> -> memref<7x256xf32, #tpu.memory_space<vmem>>
    tpu.wait_dma2 semaphore(%arg8 : memref<!tpu.dma_semaphore, #tpu.memory_space<semaphore_mem>>) src(%dma_wait3A_225 : memref<7x256xf32, #tpu.memory_space<vmem>>) dst(%dma_wait3A_221 : memref<7x256xf32, #tpu.memory_space<hbm>>)
    %dma_wait3A_226 = arith.constant 4 : i32
    %dma_wait3A_227 = arith.constant 1 : i32
    %dma_wait3A_228 = arith.constant 1 : i32
    %dma_wait3A_229 = arith.constant 0 : i32
    %dma_wait3A_230 = arith.constant 0 : i32
    %dma_wait3A_231 = tpu.memref_slice %arg7[%dma_wait3A_226, %dma_wait3A_229, %dma_wait3A_230] : memref<9x7x256xf32, #tpu.memory_space<vmem>> -> memref<1x7x256xf32, #tpu.memory_space<vmem>>
    %dma_wait3A_232 = tpu.memref_squeeze %dma_wait3A_231 : memref<1x7x256xf32, #tpu.memory_space<vmem>> -> memref<7x256xf32, #tpu.memory_space<vmem>>
    %dma_wait3A_233 = arith.constant 0 : i32
    %dma_wait3A_234 = tpu.memref_slice %arg4[%dma_wait3A_227, %dma_wait3A_228, %dma_wait3A_233, %mul3A_2] : memref<3x3x7x8192xf32, #tpu.memory_space<hbm>> -> memref<1x1x7x256xf32, #tpu.memory_space<hbm>>
    %dma_wait3A_235 = tpu.memref_squeeze %dma_wait3A_234 : memref<1x1x7x256xf32, #tpu.memory_space<hbm>> -> memref<7x256xf32, #tpu.memory_space<hbm>>
    %dma_wait3A_236 = arith.constant 0 : i32
    %dma_wait3A_237 = tpu.memref_slice %arg4[%dma_wait3A_227, %dma_wait3A_228, %dma_wait3A_236, %mul3A_2] : memref<3x3x7x8192xf32, #tpu.memory_space<hbm>> -> memref<1x1x7x256xf32, #tpu.memory_space<hbm>>
    %dma_wait3A_238 = tpu.memref_squeeze %dma_wait3A_237 : memref<1x1x7x256xf32, #tpu.memory_space<hbm>> -> memref<7x256xf32, #tpu.memory_space<hbm>>
    %dma_wait3A_239 = arith.constant 0 : i32
    %dma_wait3A_240 = arith.constant 0 : i32
    %dma_wait3A_241 = tpu.memref_slice %arg7[%dma_wait3A_226, %dma_wait3A_239, %dma_wait3A_240] : memref<9x7x256xf32, #tpu.memory_space<vmem>> -> memref<1x7x256xf32, #tpu.memory_space<vmem>>
    %dma_wait3A_242 = tpu.memref_squeeze %dma_wait3A_241 : memref<1x7x256xf32, #tpu.memory_space<vmem>> -> memref<7x256xf32, #tpu.memory_space<vmem>>
    tpu.wait_dma2 semaphore(%arg8 : memref<!tpu.dma_semaphore, #tpu.memory_space<semaphore_mem>>) src(%dma_wait3A_242 : memref<7x256xf32, #tpu.memory_space<vmem>>) dst(%dma_wait3A_238 : memref<7x256xf32, #tpu.memory_space<hbm>>)
    %dma_wait3A_243 = arith.constant 5 : i32
    %dma_wait3A_244 = arith.constant 1 : i32
    %dma_wait3A_245 = arith.constant 2 : i32
    %dma_wait3A_246 = arith.constant 0 : i32
    %dma_wait3A_247 = arith.constant 0 : i32
    %dma_wait3A_248 = tpu.memref_slice %arg7[%dma_wait3A_243, %dma_wait3A_246, %dma_wait3A_247] : memref<9x7x256xf32, #tpu.memory_space<vmem>> -> memref<1x7x256xf32, #tpu.memory_space<vmem>>
    %dma_wait3A_249 = tpu.memref_squeeze %dma_wait3A_248 : memref<1x7x256xf32, #tpu.memory_space<vmem>> -> memref<7x256xf32, #tpu.memory_space<vmem>>
    %dma_wait3A_250 = arith.constant 0 : i32
    %dma_wait3A_251 = tpu.memref_slice %arg4[%dma_wait3A_244, %dma_wait3A_245, %dma_wait3A_250, %mul3A_2] : memref<3x3x7x8192xf32, #tpu.memory_space<hbm>> -> memref<1x1x7x256xf32, #tpu.memory_space<hbm>>
    %dma_wait3A_252 = tpu.memref_squeeze %dma_wait3A_251 : memref<1x1x7x256xf32, #tpu.memory_space<hbm>> -> memref<7x256xf32, #tpu.memory_space<hbm>>
    %dma_wait3A_253 = arith.constant 0 : i32
    %dma_wait3A_254 = tpu.memref_slice %arg4[%dma_wait3A_244, %dma_wait3A_245, %dma_wait3A_253, %mul3A_2] : memref<3x3x7x8192xf32, #tpu.memory_space<hbm>> -> memref<1x1x7x256xf32, #tpu.memory_space<hbm>>
    %dma_wait3A_255 = tpu.memref_squeeze %dma_wait3A_254 : memref<1x1x7x256xf32, #tpu.memory_space<hbm>> -> memref<7x256xf32, #tpu.memory_space<hbm>>
    %dma_wait3A_256 = arith.constant 0 : i32
    %dma_wait3A_257 = arith.constant 0 : i32
    %dma_wait3A_258 = tpu.memref_slice %arg7[%dma_wait3A_243, %dma_wait3A_256, %dma_wait3A_257] : memref<9x7x256xf32, #tpu.memory_space<vmem>> -> memref<1x7x256xf32, #tpu.memory_space<vmem>>
    %dma_wait3A_259 = tpu.memref_squeeze %dma_wait3A_258 : memref<1x7x256xf32, #tpu.memory_space<vmem>> -> memref<7x256xf32, #tpu.memory_space<vmem>>
    tpu.wait_dma2 semaphore(%arg8 : memref<!tpu.dma_semaphore, #tpu.memory_space<semaphore_mem>>) src(%dma_wait3A_259 : memref<7x256xf32, #tpu.memory_space<vmem>>) dst(%dma_wait3A_255 : memref<7x256xf32, #tpu.memory_space<hbm>>)
    %dma_wait3A_260 = arith.constant 6 : i32
    %dma_wait3A_261 = arith.constant 2 : i32
    %dma_wait3A_262 = arith.constant 0 : i32
    %dma_wait3A_263 = arith.constant 0 : i32
    %dma_wait3A_264 = arith.constant 0 : i32
    %dma_wait3A_265 = tpu.memref_slice %arg7[%dma_wait3A_260, %dma_wait3A_263, %dma_wait3A_264] : memref<9x7x256xf32, #tpu.memory_space<vmem>> -> memref<1x7x256xf32, #tpu.memory_space<vmem>>
    %dma_wait3A_266 = tpu.memref_squeeze %dma_wait3A_265 : memref<1x7x256xf32, #tpu.memory_space<vmem>> -> memref<7x256xf32, #tpu.memory_space<vmem>>
    %dma_wait3A_267 = arith.constant 0 : i32
    %dma_wait3A_268 = tpu.memref_slice %arg4[%dma_wait3A_261, %dma_wait3A_262, %dma_wait3A_267, %mul3A_2] : memref<3x3x7x8192xf32, #tpu.memory_space<hbm>> -> memref<1x1x7x256xf32, #tpu.memory_space<hbm>>
    %dma_wait3A_269 = tpu.memref_squeeze %dma_wait3A_268 : memref<1x1x7x256xf32, #tpu.memory_space<hbm>> -> memref<7x256xf32, #tpu.memory_space<hbm>>
    %dma_wait3A_270 = arith.constant 0 : i32
    %dma_wait3A_271 = tpu.memref_slice %arg4[%dma_wait3A_261, %dma_wait3A_262, %dma_wait3A_270, %mul3A_2] : memref<3x3x7x8192xf32, #tpu.memory_space<hbm>> -> memref<1x1x7x256xf32, #tpu.memory_space<hbm>>
    %dma_wait3A_272 = tpu.memref_squeeze %dma_wait3A_271 : memref<1x1x7x256xf32, #tpu.memory_space<hbm>> -> memref<7x256xf32, #tpu.memory_space<hbm>>
    %dma_wait3A_273 = arith.constant 0 : i32
    %dma_wait3A_274 = arith.constant 0 : i32
    %dma_wait3A_275 = tpu.memref_slice %arg7[%dma_wait3A_260, %dma_wait3A_273, %dma_wait3A_274] : memref<9x7x256xf32, #tpu.memory_space<vmem>> -> memref<1x7x256xf32, #tpu.memory_space<vmem>>
    %dma_wait3A_276 = tpu.memref_squeeze %dma_wait3A_275 : memref<1x7x256xf32, #tpu.memory_space<vmem>> -> memref<7x256xf32, #tpu.memory_space<vmem>>
    tpu.wait_dma2 semaphore(%arg8 : memref<!tpu.dma_semaphore, #tpu.memory_space<semaphore_mem>>) src(%dma_wait3A_276 : memref<7x256xf32, #tpu.memory_space<vmem>>) dst(%dma_wait3A_272 : memref<7x256xf32, #tpu.memory_space<hbm>>)
    %dma_wait3A_277 = arith.constant 7 : i32
    %dma_wait3A_278 = arith.constant 2 : i32
    %dma_wait3A_279 = arith.constant 1 : i32
    %dma_wait3A_280 = arith.constant 0 : i32
    %dma_wait3A_281 = arith.constant 0 : i32
    %dma_wait3A_282 = tpu.memref_slice %arg7[%dma_wait3A_277, %dma_wait3A_280, %dma_wait3A_281] : memref<9x7x256xf32, #tpu.memory_space<vmem>> -> memref<1x7x256xf32, #tpu.memory_space<vmem>>
    %dma_wait3A_283 = tpu.memref_squeeze %dma_wait3A_282 : memref<1x7x256xf32, #tpu.memory_space<vmem>> -> memref<7x256xf32, #tpu.memory_space<vmem>>
    %dma_wait3A_284 = arith.constant 0 : i32
    %dma_wait3A_285 = tpu.memref_slice %arg4[%dma_wait3A_278, %dma_wait3A_279, %dma_wait3A_284, %mul3A_2] : memref<3x3x7x8192xf32, #tpu.memory_space<hbm>> -> memref<1x1x7x256xf32, #tpu.memory_space<hbm>>
    %dma_wait3A_286 = tpu.memref_squeeze %dma_wait3A_285 : memref<1x1x7x256xf32, #tpu.memory_space<hbm>> -> memref<7x256xf32, #tpu.memory_space<hbm>>
    %dma_wait3A_287 = arith.constant 0 : i32
    %dma_wait3A_288 = tpu.memref_slice %arg4[%dma_wait3A_278, %dma_wait3A_279, %dma_wait3A_287, %mul3A_2] : memref<3x3x7x8192xf32, #tpu.memory_space<hbm>> -> memref<1x1x7x256xf32, #tpu.memory_space<hbm>>
    %dma_wait3A_289 = tpu.memref_squeeze %dma_wait3A_288 : memref<1x1x7x256xf32, #tpu.memory_space<hbm>> -> memref<7x256xf32, #tpu.memory_space<hbm>>
    %dma_wait3A_290 = arith.constant 0 : i32
    %dma_wait3A_291 = arith.constant 0 : i32
    %dma_wait3A_292 = tpu.memref_slice %arg7[%dma_wait3A_277, %dma_wait3A_290, %dma_wait3A_291] : memref<9x7x256xf32, #tpu.memory_space<vmem>> -> memref<1x7x256xf32, #tpu.memory_space<vmem>>
    %dma_wait3A_293 = tpu.memref_squeeze %dma_wait3A_292 : memref<1x7x256xf32, #tpu.memory_space<vmem>> -> memref<7x256xf32, #tpu.memory_space<vmem>>
    tpu.wait_dma2 semaphore(%arg8 : memref<!tpu.dma_semaphore, #tpu.memory_space<semaphore_mem>>) src(%dma_wait3A_293 : memref<7x256xf32, #tpu.memory_space<vmem>>) dst(%dma_wait3A_289 : memref<7x256xf32, #tpu.memory_space<hbm>>)
    %dma_wait3A_294 = arith.constant 8 : i32
    %dma_wait3A_295 = arith.constant 2 : i32
    %dma_wait3A_296 = arith.constant 2 : i32
    %dma_wait3A_297 = arith.constant 0 : i32
    %dma_wait3A_298 = arith.constant 0 : i32
    %dma_wait3A_299 = tpu.memref_slice %arg7[%dma_wait3A_294, %dma_wait3A_297, %dma_wait3A_298] : memref<9x7x256xf32, #tpu.memory_space<vmem>> -> memref<1x7x256xf32, #tpu.memory_space<vmem>>
    %dma_wait3A_300 = tpu.memref_squeeze %dma_wait3A_299 : memref<1x7x256xf32, #tpu.memory_space<vmem>> -> memref<7x256xf32, #tpu.memory_space<vmem>>
    %dma_wait3A_301 = arith.constant 0 : i32
    %dma_wait3A_302 = tpu.memref_slice %arg4[%dma_wait3A_295, %dma_wait3A_296, %dma_wait3A_301, %mul3A_2] : memref<3x3x7x8192xf32, #tpu.memory_space<hbm>> -> memref<1x1x7x256xf32, #tpu.memory_space<hbm>>
    %dma_wait3A_303 = tpu.memref_squeeze %dma_wait3A_302 : memref<1x1x7x256xf32, #tpu.memory_space<hbm>> -> memref<7x256xf32, #tpu.memory_space<hbm>>
    %dma_wait3A_304 = arith.constant 0 : i32
    %dma_wait3A_305 = tpu.memref_slice %arg4[%dma_wait3A_295, %dma_wait3A_296, %dma_wait3A_304, %mul3A_2] : memref<3x3x7x8192xf32, #tpu.memory_space<hbm>> -> memref<1x1x7x256xf32, #tpu.memory_space<hbm>>
    %dma_wait3A_306 = tpu.memref_squeeze %dma_wait3A_305 : memref<1x1x7x256xf32, #tpu.memory_space<hbm>> -> memref<7x256xf32, #tpu.memory_space<hbm>>
    %dma_wait3A_307 = arith.constant 0 : i32
    %dma_wait3A_308 = arith.constant 0 : i32
    %dma_wait3A_309 = tpu.memref_slice %arg7[%dma_wait3A_294, %dma_wait3A_307, %dma_wait3A_308] : memref<9x7x256xf32, #tpu.memory_space<vmem>> -> memref<1x7x256xf32, #tpu.memory_space<vmem>>
    %dma_wait3A_310 = tpu.memref_squeeze %dma_wait3A_309 : memref<1x7x256xf32, #tpu.memory_space<vmem>> -> memref<7x256xf32, #tpu.memory_space<vmem>>
    tpu.wait_dma2 semaphore(%arg8 : memref<!tpu.dma_semaphore, #tpu.memory_space<semaphore_mem>>) src(%dma_wait3A_310 : memref<7x256xf32, #tpu.memory_space<vmem>>) dst(%dma_wait3A_306 : memref<7x256xf32, #tpu.memory_space<hbm>>)
    return
  }
}

</mosaic_0001>

<sc_bundles>
// kernel: kernel.3.cloned.1.call-start
scs
__scs_entry_jumppad:
0x0: {  	(pc) =	sbr.rel $0x88, $3  }
0x1: {  	(tag) =	ssettag $0x0;
	lr =	simm.s32 $0x1  }
0x2: {  	[smem:$0x3F9E] =	sst lr;
	_ =	strace $0xD0000000  }
0x3: {  	_ = 	snop  }
0x4: {  	_ = 	snop  }
0x5: {  	_ = 	snop  }
0x6: {  	_ = 	snop  }
0x7: {  	_ = 	snop  }
__scs_overlays_trampoline_lowered:
0x8: {  	[smem:$0x3FAD] =	sst s0  }
0x9: {  	[smem:$0x3FAE] =	sst s1  }
0xa: {  	[smem:$0x3FAF] =	sst s2  }
0xb: {  	[smem:$0x3FB0] =	sst s3  }
0xc: {  	[smem:$0x3FB1] =	sst s4  }
0xd: {  	[smem:$0x3FB2] =	sst s5  }
0xe: {  	[smem:$0x3FB3] =	sst s6  }
0xf: {  	[smem:$0x3FB4] =	sst s7  }
0x10: {  	[smem:$0x3FB5] =	sst s8  }
0x11: {  	[smem:$0x3FB6] =	sst s9;
	s0 =	simm.s32 @!p0 $0x0  }
0x12: {  	s1 =	sld [smem:$0x3F9C];
	s0 =	simm.s32 @p0 $0x1  }
0x13: {  	[smem:$0x3FB7] =	sst s0;
	s0 =	simm.s32 @!p1 $0x0  }
0x14: {  	s2 =	sld [smem:$0x3F9B];
	s0 =	simm.s32 @p1 $0x1  }
0x15: {  	[smem:$0x3FB8] =	sst s0;
	s0 =	simm.s32 @!p2 $0x0  }
0x16: {  	s3 =	sld [smem:$0x3FDB];
	s0 =	simm.s32 @p2 $0x1  }
0x17: {  	s4 =	simm.s32 $0x1BF5;
	[smem:$0x3FBA] =	sst s0  }
0x18: {  	s0 =	sld [smem:$0x3F9D];
	_ =	swait.ge [sflag:s4], $0x0  }
0x19: {  	s7 =	sld [smem:$0x3F9E]  }
0x1a: {  	s8 =	sadd.s32 $0xFFFFE003, lr  }
0x1b: {  	s9 =	sadd.s32 $0xFFFFFEF7, lr;
	s5 =	simm.s32 $0xFFFFFFFF;
	p2 =	slt.u32 s8, $0xFFFFF086  }
0x1c: {  	p1 =	slt.u32 s9, $0xF7A;
	s5 =	simm.s32 @!p2 $0x0  }
0x1d: {  	s5 =	simm.s32 @p1 $0x1;
	p0 =	seq.s32 s7, s2  }
0x1e: {  	s7 =	smul.u32 @!p0 $0xF7A, s2;
	p2 =	seq.s32 @!p0 s5, $0x0  }
0x1f: {  	s9 =	smul.u32 $0xF7A, s1;
	s8 =	simm.s32 @!p0 $0x1BF5;
	p2 =	por !p2, p0  }
0x20: {  	[sflag:s8] =	ssyncset.s32 @!p0 $0xFFFFF086;
	s6 =	sadd.s32 @!p0 s3, s7;
	s7 =	simm.s32 @!p0 $0x108  }
0x21: {  	s3 =	sadd.s32 s3, s9;
	s6 =	sadd.s32 @!p0 $0x88, s6;
	s7 =	simm.s32 @p2 $0x1082  }
0x22: {  	[simem:s7], [sflag:s8] =	dma.local @!p0 [hbm:s6], $0xF7A  }
0x23: {  	s9 =	sor.u32 $0xD0000000, s2;
	s6 =	simm.s32 $0x108;
	_ =	swait.ge @!p0 [sflag:s8], $0x0  }
0x24: {  	s3 =	sadd.s32 $0x88, s3;
	s6 =	simm.s32 @!p1 $0x1082;
	[sflag:s4] =	ssyncset.s32 $0xFFFFF086  }
0x25: {  	[simem:s6], [sflag:s4] =	dma.local [hbm:s3], $0xF7A  }
0x26: {  	[smem:$0x3F9E] =	sst s1;
	(tag) =	ssettag s2;
	_ =	strace s9  }
0x27: {  	s1 =	sld [smem:$0x3FAE]  }
0x28: {  	s2 =	sld [smem:$0x3FAF]  }
0x29: {  	s4 =	sld [smem:$0x3FB1]  }
0x2a: {  	p0 =	seq.s32 s5, $0x0;
	s5 =	sld [smem:$0x3FB2]  }
0x2b: {  	s6 =	sld [smem:$0x3FB3]  }
0x2c: {  	s7 =	sld [smem:$0x3FB4]  }
0x2d: {  	s3 =	simm.s32 $0x108;
	s8 =	sld [smem:$0x3FB5]  }
0x2e: {  	s3 =	simm.s32 @!p0 $0x1082;
	s9 =	sld [smem:$0x3FB6]  }
0x2f: {  	lr =	sadd.s32 s0, s3;
	s0 =	sld [smem:$0x3FAD]  }
0x30: {  	s3 =	sld [smem:$0x3FB0]  }
0x31: {  	[smem:$0x3FB9] =	sst s10  }
0x32: {  	s10 =	sld [smem:$0x3FB7];
	_ =	sdelay $0x3  }
0x33: {  	p0 =	seq.s32 s10, $0x1;
	s10 =	sld [smem:$0x3FB9];
	_ =	sdelay $0x3  }
0x34: {  	[smem:$0x3FB9] =	sst s10  }
0x35: {  	s10 =	sld [smem:$0x3FB8];
	_ =	sdelay $0x3  }
0x36: {  	p1 =	seq.s32 s10, $0x1;
	s10 =	sld [smem:$0x3FB9];
	_ =	sdelay $0x3  }
0x37: {  	[smem:$0x3FB9] =	sst s10  }
0x38: {  	s10 =	sld [smem:$0x3FBA]  }
0x39: {  	_ = 	snop;
	(pc) =	sbr.ind lr, $3  }
0x3a: {  	_ = 	snop  }
0x3b: {  	_ = 	snop  }
0x3c: {  	p2 =	seq.s32 s10, $0x1;
	s10 =	sld [smem:$0x3FB9]  }
0x3d: {  	_ =	shalt  }
0x3e: {  	_ =	shalt  }
0x3f: {  	_ =	shalt  }
0x40: {  	_ =	shalt  }
0x41: {  	_ =	shalt  }
0x42: {  	_ =	shalt  }
0x43: {  	_ =	shalt  }
0x44: {  	_ =	shalt  }
0x45: {  	_ =	shalt  }
0x46: {  	_ =	shalt  }
0x47: {  	_ =	shalt  }
0x48: {  	_ =	shalt  }
0x49: {  	_ =	shalt  }
0x4a: {  	_ =	shalt  }
0x4b: {  	_ =	shalt  }
0x4c: {  	_ =	shalt  }
0x4d: {  	_ =	shalt  }
0x4e: {  	_ =	shalt  }
0x4f: {  	_ =	shalt  }
0x50: {  	_ =	shalt  }
0x51: {  	_ =	shalt  }
0x52: {  	_ =	shalt  }
0x53: {  	_ =	shalt  }
0x54: {  	_ =	shalt  }
0x55: {  	_ =	shalt  }
0x56: {  	_ =	shalt  }
0x57: {  	_ =	shalt  }
0x58: {  	_ =	shalt  }
0x59: {  	_ =	shalt  }
0x5a: {  	_ =	shalt  }
0x5b: {  	_ =	shalt  }
0x5c: {  	_ =	shalt  }
0x5d: {  	_ =	shalt  }
0x5e: {  	_ =	shalt  }
0x5f: {  	_ =	shalt  }
0x60: {  	_ =	shalt  }
0x61: {  	_ =	shalt  }
0x62: {  	_ =	shalt  }
0x63: {  	_ =	shalt  }
0x64: {  	_ =	shalt  }
0x65: {  	_ =	shalt  }
0x66: {  	_ =	shalt  }
0x67: {  	_ =	shalt  }
0x68: {  	_ =	shalt  }
0x69: {  	_ =	shalt  }
0x6a: {  	_ =	shalt  }
0x6b: {  	_ =	shalt  }
0x6c: {  	_ =	shalt  }
0x6d: {  	_ =	shalt  }
0x6e: {  	_ =	shalt  }
0x6f: {  	_ =	shalt  }
0x70: {  	_ =	shalt  }
0x71: {  	_ =	shalt  }
0x72: {  	_ =	shalt  }
0x73: {  	_ =	shalt  }
0x74: {  	_ =	shalt  }
0x75: {  	_ =	shalt  }
0x76: {  	_ =	shalt  }
0x77: {  	_ =	shalt  }
0x78: {  	_ =	shalt  }
0x79: {  	_ =	shalt  }
0x7a: {  	_ =	shalt  }
0x7b: {  	_ =	shalt  }
0x7c: {  	_ =	shalt  }
0x7d: {  	_ =	shalt  }
0x7e: {  	_ =	shalt  }
0x7f: {  	_ =	shalt  }
0x80: {  	_ =	shalt  }
0x81: {  	_ =	shalt  }
0x82: {  	_ =	shalt  }
0x83: {  	_ =	shalt  }
0x84: {  	_ =	shalt  }
0x85: {  	_ =	shalt  }
0x86: {  	_ =	shalt  }
0x87: {  	_ =	shalt  }
.Lfunc_end0:
.L_simem_size_0:
called_computation_lowered:
.L_overlay_start_0:
0x88: {  	s2 =	sld [smem:$0x3FD9]  }
0x89: {  	s3 =	sld [smem:$0x3FFE];
	_ =	sdelay $0x1  }
0x8a: {  	s1 =	srdreg.scid  }
0x8b: {  	s0 =	sand.u32 $0x1, s1  }
0x8c: {  	s15 =	sshll.u32 s0, $0xA;
	s2 =	sadd.s32 s3, s2  }
0x8d: {  	s2 =	sadd.s32 s2, s15  }
0x8e: {  	[smem:$0x3FC5] =	sst s2  }
0x8f: {  	_ = 	snop  }
0x90: {  	s2 =	sld [smem:$0x3FD0];
	_ =	sdelay $0x2  }
0x91: {  	s4 =	simm.s32 $0xA;
	s5 =	simm.s32 $0x10;
	s16 =	sld [smem:$0x3FC9]  }
0x92: {  	[smem:s5], [sflag:s4] =	dma.local [hbm:s2], $0x1  }
0x93: {  	_ =	swait.eq [sflag:s4], $0x1  }
0x94: {  	[sflag:s4] =	ssyncset.done $0x0  }
0x95: {  	s17 =	sld [smem:$0x10];
	[sflag:s4] =	ssyncadd.s32 $0xFFFFFFFF  }
0x96: {  	s18 =	sld [smem:$0x11];
	(tm) =	ssettm $0x1  }
0x97: {  	s19 =	sld [smem:$0x3FFB];
	_ =	sdelay $0x3  }
0x98: {  	_ =	strace s19  }
0x99: {  	s5 =	sld [smem:$0x3FFC];
	_ =	sdelay $0x3  }
0x9a: {  	_ =	strace s5  }
0x9b: {  	s5 =	sld [smem:$0x3FFD];
	_ =	sdelay $0x3  }
0x9c: {  	_ =	strace s5  }
0x9d: {  	_ =	strace $0x8FFFFFFF  }
0x9e: {  	s20 =	sld [smem:$0x3FDB];
	_ =	sdelay $0x1  }
0x9f: {  	s6 =	simm.s32 $_scs_section_size  }
0xa0: {  	s7 =	simm.s32 $_size__tile_overlayer_lowered;
	s8 =	simm.s32 $_tile_overlayer_lowered  }
0xa1: {  	s23 =	simm.s32 $0x1BFF;
	s22 =	sshll.u32 s8, $0x1;
	s5 =	sadd.s32 s6, s20  }
0xa2: {  	s9 =	simm.s32 $0x0;
	s21 =	sshll.u32 s7, $0x1;
	s7 =	sadd.s32 s22, s5  }
0xa3: {  	[timem:s9], [sflag:s23] =	dma.local [hbm:s7], s21  }
0xa4: {  	_ =	swait.ge [sflag:s23], s21  }
0xa5: {  	s6 =	ssub.s32 $0x0, s21;
	[sflag:s23] =	ssyncset.done $0x0  }
0xa6: {  	[sflag:s23] =	ssyncadd.s32 s6;
	_ =	sdelay $0x1  }
0xa7: {  	s24 =	simm.s32 $0x1B8B  }
0xa8: {  	_ =	swait.ge [sflag:s24], $0x1  }
0xa9: {  	[sflag:s24] =	ssyncset.done $0x0  }
0xaa: {  	s25 =	simm.s32 $0x1B8E;
	[sflag:s24] =	ssyncadd.s32 $0xFFFFFFFF  }
0xab: {  	s26 =	simm.s32 $execute0_lowered;
	[smem:$0x3FD2] =	sst s25  }
0xac: {  	s6 =	sshll.u32 s26, $0x1;
	_ =	strace $0x80000046;
	[dreg:$0x1] =	wrdreg $0xFFFFFFFF  }
0xad: {  	s28 =	simm.s32 $_size_execute0_lowered;
	s5 =	sadd.s32 s5, s6;
	[dreg:$0x0] =	wrdreg $0x0  }
0xae: {  	s6 =	sshll.u32 s28, $0x1;
	[dreg:$0x2] =	wrdreg s5  }
0xaf: {  	[dreg:$0x3] =	wrdreg s6  }
0xb0: {  	[dreg:$0x4] =	wrdreg $0xC0  }
0xb1: {  	_ =	task [dreg:s9], $0x5FFFF  }
0xb2: {  	[dreg:$0x1] =	wrdreg $0xFFFFFFFF  }
0xb3: {  	[dreg:$0x0] =	wrdreg $0x60  }
0xb4: {  	[dreg:$0x2] =	wrdreg s16  }
0xb5: {  	[dreg:$0x3] =	wrdreg s18  }
0xb6: {  	[dreg:$0x4] =	wrdreg s17  }
0xb7: {  	[dreg:$0x5] =	wrdreg $0x9  }
0xb8: {  	_ =	task.clear_ibuf [dreg:s9], $0x6FFFF;
	_ =	strace $0x90000046  }
0xb9: {  	s29 =	simm.s32 $0x9;
	_ =	strace $0x80000048  }
0xba: {  	_ =	swait.ge [sflag:s29], $0x1  }
0xbb: {  	[sflag:s29] =	ssyncadd.s32 $0xFFFFFFFF  }
0xbc: {  	_ =	strace $0x90000048  }
0xbd: {  	_ =	sfence  }
0xbe: {  	s30 =	sld [smem:$0x0];
	_ =	sdelay $0x2  }
0xbf: {  	s31 =	sshll.u32 s1, $0xD;
	s1 =	sshrl.u32 s1, $0x2  }
0xc0: {  	s3 =	sand.u32 $0x4000, s31;
	s1 =	sadd.s32 s1, s30  }
0xc1: {  	s0 =	sor.u32 s3, s0;
	s1 =	sshll.u32 s1, $0x11  }
0xc2: {  	s0 =	sor.u32 s1, s0  }
0xc3: {  	s0 =	sadd.s32 $0x8F2B, s0  }
0xc4: {  	[sflag:s0] =	ssyncadd.remote.s32 $0x1  }
0xc5: {  	_ =	sfence.sel $0xFFFF  }
0xc6: {  	[dreg:$0x0] =	wrdreg $0xFFFFFFFF;
	(pc) =	sbr.abs _section_cstart, $3  }
0xc7: {  	[dreg:$0x1] =	wrdreg $0xFFFFFFFF  }
0xc8: {  	_ =	task.clear_ibuf [dreg:s9], $0x2FFFF;
	_ =	strace $0x9FFFFFFF  }
0xc9: {  	(tm) =	ssettm $0x7FFFFFFF  }
tec
execute0_lowered:
.L_overlay_start_1:
0x0: {  	(tag) =	ssettag $0x1  }
0x1: {  	s0 =	rddreg [dreg:$0x0]  }
0x2: {  	s4 =	rddreg [dreg:$0x2]  }
0x3: {  	s3 =	srdreg.scid;
	s1 =	stileid.u32;
	s15 =	simm.s32 $0x800  }
0x4: {  	s16 =	simm.s32 $0x2;
	s17 =	simm.s32 $0x880;
	s18 =	simm.s32 $0x1080  }
0x5: {  	s19 =	simm.s32 $0x1880;
	s20 =	simm.s32 $0x2080;
	s21 =	simm.s32 $0x2880  }
0x6: {  	s22 =	simm.s32 $0x3080;
	s23 =	simm.s32 $0x3880;
	s24 =	simm.s32 $0x4080  }
0x7: {  	s25 =	simm.s32 $0x4880;
	s26 =	simm.s32 $0x1;
	s28 =	simm.s32 $0x0  }
0x8: {  	s5 =	sand.u32 $0x1, s3;
	s3 =	simm.s32 $0x0;
	s7 =	sshll.u32 s1, $0x8  }
0x9: {  	s6 =	sshll.u32 s5, $0xC;
	[smem:$0x7FF] =	sst s3;
	s5 =	ssub.s32 $0x2, s5  }
0xa: {  	s6 =	sor.u32 s7, s6;
	_ =	strace $0x80000047;
	s31 =	sshrl.u32 s5, $0x1  }
0xb: {  	s4 =	sadd.s32 s4, s6;
	s14 =	ssub.s32 s5, s31;
	s5 =	sadd.s32 s0, s6  }
0xc: {  	s6 =	sadd.s32 $0x2000, s4;
	s7 =	sadd.s32 $0x4000, s4;
	s8 =	sadd.s32 $0x6000, s4  }
0xd: {  	s9 =	sadd.s32 $0x8000, s4;
	s10 =	sadd.s32 $0xA000, s4;
	s11 =	sadd.s32 $0xC000, s4  }
0xe: {  	s12 =	sadd.s32 $0xE000, s4;
	s13 =	sadd.s32 $0x10000, s4;
	s14 =	smax.u32 s14, $0x1  }
.LBB2_1:
0xf: {  	s0 =	rddreg [dreg:$0x1]  }
0x10: {  	[tilespmem:s15], [sflag:$0x2] =	stream.linear.gather [hbm4b:s0+s3], $0x80, $0x38;
	[tilespmem:$0x5080] =	vst v63  }
0x11: {  	_ =	swait.ge [sflag:s16], $0x80  }
0x12: {  	[sflag:s16] =	ssyncset.done $0x0  }
0x13: {  	[sflag:s16] =	ssyncadd.s32 $0xFFFFFF80  }
0x14: {  	[tilespmem:s3], [sflag:$0x2] =	stream.linear.gather [hbm4b:s5+s3], $0x800, $0x38;
	[tilespmem:$0x5080] =	vst v63  }
0x15: {  	_ =	swait.ge [sflag:s16], $0x800  }
0x16: {  	[sflag:s16] =	ssyncset.done $0x0  }
0x17: {  	s29 =	simm.s32 $0x0;
	[sflag:s16] =	ssyncadd.s32 $0xFFFFF800  }
.LBB2_2:
0x18: {  	s0 =	sshll.u32 s29, $0x2  }
0x19: {  	v2 =	vmov s0;
	_ =	sdelay $0x4  }
0x1a: {  	v0 =	vld.idx.msk [tilespmem:v2+s15+$0x0], $0xffff;
	_ =	sdelay $0x4  }
0x1b: {  	v1 =	vor.u32 $0x1, v2;
	(erf) = vrcp.f32 v0  }
0x1c: {  	v0 =	vor.u32 $0x2, v2;
	_ =	sdelay $0x3  }
0x1d: {  	v1 =	vld.idx.msk [tilespmem:v1+s15+$0x0], $0xffff  }
0x1e: {  	v3 =	vld.idx.msk [tilespmem:v0+s15+$0x0], $0xffff;
	_ =	sdelay $0x2  }
0x1f: {  	v0 =	vpop (erf)  }
0x20: {  	v1 =	vmul.f32 v0, v1  }
0x21: {  	v3 =	vmul.f32 v3, v0  }
0x22: {  	s31 =	simm.s32 $0x0;
	(erf) = vrcp.f32 v1  }
0x23: {  	s1 =	sand.u32 $0x70, s31;
	s30 =	sand.u32 $0x400, s31;
	(erf) = vrcp.f32 v3  }
0x24: {  	s30 =	sor.u32 s1, s30  }
0x25: {  	v1 =	vld [tilespmem:s30+$0x200]  }
0x26: {  	v3 =	vld [tilespmem:s30+$0x280];
	_ =	sdelay $0x3  }
0x27: {  	v5 =	vmul.f32 v1, v0  }
0x28: {  	v6 =	vmul.f32 v3, v0;
	v1 =	vpop (erf)  }
0x29: {  	v3 =	vpop (erf);
	v7 =	vmul.f32 v5, v1  }
0x2a: {  	v8 =	vmul.f32 v6, v3  }
0x2b: {  	(erf) = vrcp.f32 v7  }
0x2c: {  	(erf) = vrcp.f32 v8;
	_ =	sdelay $0x3  }
0x2d: {  	v2 =	vor.u32 $0x3, v2;
	_ =	sdelay $0x2  }
0x2e: {  	v9 =	vld [tilespmem:s30+$0x180]  }
0x2f: {  	v11 =	vld [tilespmem:s30+$0x100];
	v10 =	vpop (erf)  }
0x30: {  	s2 =	sshll.u32 s29, $0xB;
	v4 =	vld.idx.msk [tilespmem:v2+s15+$0x0], $0xffff;
	v12 =	vpop (erf)  }
0x31: {  	s0 =	sand.u32 $0x3FFFF800, s2;
	v10 =	vmax.f32 v7, v10;
	v7 =	vld [tilespmem:s30+$0x80];
	v8 =	vmax.f32 v8, v12  }
0x32: {  	s0 =	sadd.s32 $0x880, s0;
	v12 =	vmax.f32 v10, v8;
	v10 =	vld [tilespmem:s30+$0x0]  }
0x33: {  	v2 =	vmov s0;
	_ =	sdelay $0x1  }
0x34: {  	s0 =	simm.s32 $0x10;
	v8 =	vmul.f32 v9, v0;
	v9 =	vmul.f32 v11, v0;
	vm0 =	vlt.f32 v12, $4.000000000e+00  }
.LBB2_3:
0x35: {  	p0 =	sne.s32 s0, $0xF0  }
0x36: {  	v10 =	vnsel vm0, $0x0, v10;
	v7 =	vnsel vm0, $0x0, v7;
	v11 =	vnsel vm0, $0x0, v4;
	s31 =	sadd.s32 $0x80, s31;
	s1 =	smov.u32 s0;
	s0 =	sadd.s32 $0x10, s0  }
0x37: {  	v8 =	vnsel vm0, $0x0, v8;
	v5 =	vnsel vm0, $0x0, v5;
	v9 =	vnsel vm0, $0x0, v9;
	[tilespmem:v2+s30+$0x300 ss:$0x1] =	vst.idx.msk $0xffff, v11  }
0x38: {  	v6 =	vnsel vm0, $0x0, v6;
	[tilespmem:v2+s30+$0x0 ss:$0x1] =	vst.idx.msk $0xffff, v10  }
0x39: {  	[tilespmem:v2+s30+$0x80 ss:$0x1] =	vst.idx.msk $0xffff, v7  }
0x3a: {  	[tilespmem:v2+s30+$0x280 ss:$0x1] =	vst.idx.msk $0xffff, v6  }
0x3b: {  	[tilespmem:v2+s30+$0x200 ss:$0x1] =	vst.idx.msk $0xffff, v5  }
0x3c: {  	s1 =	sand.u32 $0x70, s1;
	s2 =	sand.u32 $0x400, s31;
	[tilespmem:v2+s30+$0x100 ss:$0x1] =	vst.idx.msk $0xffff, v9  }
0x3d: {  	[tilespmem:v2+s30+$0x180 ss:$0x1] =	vst.idx.msk $0xffff, v8;
	s30 =	sor.u32 s1, s2  }
0x3e: {  	v5 =	vld [tilespmem:s30+$0x200]  }
0x3f: {  	v6 =	vld [tilespmem:s30+$0x280];
	_ =	sdelay $0x3  }
0x40: {  	v5 =	vmul.f32 v5, v0  }
0x41: {  	v6 =	vmul.f32 v6, v0  }
0x42: {  	v8 =	vmul.f32 v5, v1  }
0x43: {  	v9 =	vmul.f32 v6, v3  }
0x44: {  	(erf) = vrcp.f32 v8  }
0x45: {  	(erf) = vrcp.f32 v9;
	_ =	sdelay $0x4  }
0x46: {  	v7 =	vld [tilespmem:s30+$0x80]  }
0x47: {  	v11 =	vld [tilespmem:s30+$0x180]  }
0x48: {  	v12 =	vld [tilespmem:s30+$0x100]  }
.Ltmp0:
0x49: {  	v10 =	vld [tilespmem:s30+$0x0];
	v13 =	vpop (erf);
	(pc) =	sbr.rel @p0 .LBB2_3-.Ltmp0, $4  }
0x4a: {  	v13 =	vmax.f32 v8, v13;
	v8 =	vpop (erf)  }
0x4b: {  	v9 =	vmax.f32 v9, v8  }
0x4c: {  	v8 =	vmul.f32 v11, v0;
	v11 =	vmax.f32 v13, v9  }
0x4d: {  	v9 =	vmul.f32 v12, v0;
	vm0 =	vlt.f32 v11, $4.000000000e+00  }
0x4e: {  	_ =	sdelay $0x2  }
0x4f: {  	v0 =	vnsel vm0, $0x0, v4  }
0x50: {  	v1 =	vnsel vm0, $0x0, v10;
	s29 =	sadd.s32 $0x1, s29;
	[tilespmem:v2+s30+$0x300 ss:$0x1] =	vst.idx.msk $0xffff, v0  }
0x51: {  	v59 =	vnsel vm0, $0x0, v7;
	[tilespmem:v2+s30+$0x0 ss:$0x1] =	vst.idx.msk $0xffff, v1;
	p0 =	sne.s32 s29, $0x9  }
.Ltmp1:
0x52: {  	v60 =	vnsel vm0, $0x0, v6;
	[tilespmem:v2+s30+$0x80 ss:$0x1] =	vst.idx.msk $0xffff, v59;
	(pc) =	sbr.rel @p0 .LBB2_2-.Ltmp1, $4  }
0x53: {  	v61 =	vnsel vm0, $0x0, v5;
	[tilespmem:v2+s30+$0x280 ss:$0x1] =	vst.idx.msk $0xffff, v60  }
0x54: {  	v63 =	vnsel vm0, $0x0, v8;
	[tilespmem:v2+s30+$0x200 ss:$0x1] =	vst.idx.msk $0xffff, v61  }
0x55: {  	v62 =	vnsel vm0, $0x0, v9;
	[tilespmem:v2+s30+$0x180 ss:$0x1] =	vst.idx.msk $0xffff, v63  }
0x56: {  	[tilespmem:v2+s30+$0x100 ss:$0x1] =	vst.idx.msk $0xffff, v62  }
0x57: {  	[hbm4b:s4+s3] =	stream.linear.scatter [tilespmem:s17], [sflag:$0x1], $0x800, $0x38;
	[tilespmem:$0x5080] =	vst v63  }
0x58: {  	_ = 	snop  }
0x59: {  	[hbm4b:s6+s3] =	stream.linear.scatter [tilespmem:s18], [sflag:$0x1], $0x800, $0x38;
	[tilespmem:$0x5080] =	vst v63  }
0x5a: {  	_ = 	snop  }
0x5b: {  	[hbm4b:s7+s3] =	stream.linear.scatter [tilespmem:s19], [sflag:$0x1], $0x800, $0x38;
	[tilespmem:$0x5080] =	vst v63  }
0x5c: {  	_ = 	snop  }
0x5d: {  	[hbm4b:s8+s3] =	stream.linear.scatter [tilespmem:s20], [sflag:$0x1], $0x800, $0x38;
	[tilespmem:$0x5080] =	vst v63  }
0x5e: {  	_ = 	snop  }
0x5f: {  	[hbm4b:s9+s3] =	stream.linear.scatter [tilespmem:s21], [sflag:$0x1], $0x800, $0x38;
	[tilespmem:$0x5080] =	vst v63  }
0x60: {  	_ = 	snop  }
0x61: {  	[hbm4b:s10+s3] =	stream.linear.scatter [tilespmem:s22], [sflag:$0x1], $0x800, $0x38;
	[tilespmem:$0x5080] =	vst v63  }
0x62: {  	_ = 	snop  }
0x63: {  	[hbm4b:s11+s3] =	stream.linear.scatter [tilespmem:s23], [sflag:$0x1], $0x800, $0x38;
	[tilespmem:$0x5080] =	vst v63  }
0x64: {  	_ = 	snop  }
0x65: {  	[hbm4b:s12+s3] =	stream.linear.scatter [tilespmem:s24], [sflag:$0x1], $0x800, $0x38;
	[tilespmem:$0x5080] =	vst v63  }
0x66: {  	_ = 	snop  }
0x67: {  	[hbm4b:s13+s3] =	stream.linear.scatter [tilespmem:s25], [sflag:$0x1], $0x800, $0x38;
	[tilespmem:$0x5080] =	vst v63  }
0x68: {  	_ =	swait.ge [sflag:s26], $0x800  }
0x69: {  	[sflag:s26] =	ssyncset.done $0x0  }
0x6a: {  	[sflag:s26] =	ssyncadd.s32 $0xFFFFF800  }
0x6b: {  	_ =	swait.ge [sflag:s26], $0x800  }
0x6c: {  	[sflag:s26] =	ssyncset.done $0x0  }
0x6d: {  	[sflag:s26] =	ssyncadd.s32 $0xFFFFF800  }
0x6e: {  	_ =	swait.ge [sflag:s26], $0x800  }
0x6f: {  	[sflag:s26] =	ssyncset.done $0x0  }
0x70: {  	[sflag:s26] =	ssyncadd.s32 $0xFFFFF800  }
0x71: {  	_ =	swait.ge [sflag:s26], $0x800  }
0x72: {  	[sflag:s26] =	ssyncset.done $0x0  }
0x73: {  	[sflag:s26] =	ssyncadd.s32 $0xFFFFF800  }
0x74: {  	_ =	swait.ge [sflag:s26], $0x800  }
0x75: {  	[sflag:s26] =	ssyncset.done $0x0  }
0x76: {  	[sflag:s26] =	ssyncadd.s32 $0xFFFFF800  }
0x77: {  	_ =	swait.ge [sflag:s26], $0x800  }
0x78: {  	[sflag:s26] =	ssyncset.done $0x0  }
0x79: {  	[sflag:s26] =	ssyncadd.s32 $0xFFFFF800  }
0x7a: {  	_ =	swait.ge [sflag:s26], $0x800  }
0x7b: {  	[sflag:s26] =	ssyncset.done $0x0  }
0x7c: {  	s28 =	sadd.s32 $0x1, s28;
	[sflag:s26] =	ssyncadd.s32 $0xFFFFF800  }
0x7d: {  	p0 =	sne.s32 s28, s14;
	_ =	swait.ge [sflag:s26], $0x800  }
.Ltmp2:
0x7e: {  	[sflag:s26] =	ssyncset.done $0x0;
	(pc) =	sbr.rel @p0 .LBB2_1-.Ltmp2, $4  }
0x7f: {  	[sflag:s26] =	ssyncadd.s32 $0xFFFFF800  }
0x80: {  	_ =	swait.ge [sflag:s26], $0x800  }
0x81: {  	[sflag:s26] =	ssyncset.done $0x0  }
0x82: {  	[sflag:s26] =	ssyncadd.s32 $0xFFFFF800  }
0x83: {  	_ =	sfence.sel $0x180000  }
0x84: {  	[bflag:$0x0] =	sbarrier.arrive $0xFFFF  }
0x85: {  	_ =	strace $0x90000047  }
0x86: {  	s0 =	stileid.u32;
	[bflag:$0x2] =	sbarrier.arrive $0xFFFF  }
0x87: {  	p0 =	sne.s32 s0, $0x0;
	s0 =	rddreg [dreg:$0x3]  }
0x88: {  	s0 =	sadd.s32 @!p0 $0x100000, s0  }
0x89: {  	[sflag:s0] =	ssyncadd.tile.s32 @!p0 $0x1;
	_ =	shalt  }
.Lfunc_end2:
_tile_overlayer_lowered:
.L_overlay_start_2:
0x8a: {  	(tag) =	ssettag $0x2  }
0x8b: {  	s0 =	rddreg [dreg:$0x0];
	s2 =	stileid.u32  }
0x8c: {  	s1 =	rddreg [dreg:$0x1];
	p0 =	sne.s32 s2, $0x0  }
0x8d: {  	s3 =	rddreg [dreg:$0x2];
	[bflag:$0x3] =	sbarrier.arrive $0xFFFF;
	s2 =	simm.s32 @!p0 $0x1C02  }
0x8e: {  	[timem:s3], [sflag:s2] =	dma.local @!p0 [hbm:s0], s1  }
0x8f: {  	s0 =	simm.s32 @!p0 $0x2  }
0x90: {  	_ =	swait.ge @!p0 [sflag:s0], s1  }
0x91: {  	s1 =	ssub.s32 @!p0 $0x0, s1;
	[sflag:s0] =	ssyncset.done @!p0 $0x0  }
0x92: {  	[sflag:s0] =	ssyncadd.s32 @!p0 s1  }
0x93: {  	[bflag:$0x3] =	sbarrier.arrive $0xFFFF  }
0x94: {  	_ =	shalt  }

</sc_bundles>
